<compile_context>
chip_gen: v7x
topology: tpu7x:2x2x1
jax: 0.10.2.dev20260603
libtpu: 0.0.44.dev20260713+nightly
codegen_flags: <defaults>
</compile_context>

<pallas_src>
import functools

import jax
import jax.numpy as jnp
from jax import lax
from jax.experimental import pallas as pl
from jax.experimental.pallas import tpu as pltpu
from jax.experimental.pallas import tpu_sc as plsc

_CHUNK = 128


def _sc_gather(didx, ridx, drug_table, reaction_table):
    B = didx.shape[0]
    EMB = drug_table.shape[1]
    info = plsc.get_sparse_core_info()
    NC, NS, L = info.num_cores, info.num_subcores, info.num_lanes
    NW = NC * NS
    b_per_w = B // NW
    n_steps = b_per_w // L

    didx2 = didx.reshape(B // _CHUNK, _CHUNK)
    ridx2 = ridx.reshape(B // _CHUNK, _CHUNK)
    rows_per_w = b_per_w // _CHUNK

    mesh = plsc.VectorSubcoreMesh(core_axis_name="c", subcore_axis_name="s")

    @functools.partial(
        pl.kernel,
        mesh=mesh,
        out_type=[
            jax.ShapeDtypeStruct((B, EMB), jnp.float32),
            jax.ShapeDtypeStruct((B, EMB), jnp.float32),
        ],
        scratch_types=[
            pltpu.VMEM((rows_per_w, _CHUNK), jnp.int32),
            pltpu.VMEM((rows_per_w, _CHUNK), jnp.int32),
            pltpu.VMEM((b_per_w // 2, EMB), jnp.float32),
            pltpu.VMEM((b_per_w // 2, EMB), jnp.float32),
            pltpu.SemaphoreType.DMA,
        ],
    )
    def gather_kernel(didx_hbm, ridx_hbm, dtab_hbm, rtab_hbm,
                      dout_hbm, rout_hbm,
                      didx_v, ridx_v, drows_v, rrows_v, sem):
        wid = lax.axis_index("s") * NC + lax.axis_index("c")
        rowbase = wid * rows_per_w
        pltpu.sync_copy(didx_hbm.at[pl.ds(rowbase, rows_per_w)], didx_v)
        pltpu.sync_copy(ridx_hbm.at[pl.ds(rowbase, rows_per_w)], ridx_v)

        half_steps = n_steps // 2
        for p in range(2):
            def step(c, _, p=p):
                cc = p * half_steps + c
                j = cc // (_CHUNK // L)
                col = (cc % (_CHUNK // L)) * L
                dvec = didx_v[j, pl.ds(col, L)]
                rvec = ridx_v[j, pl.ds(col, L)]
                base = c * L
                for lane in range(L):
                    pltpu.async_copy(
                        dtab_hbm.at[pl.ds(dvec[lane], 1)],
                        drows_v.at[pl.ds(base + lane, 1)], sem)
                    pltpu.async_copy(
                        rtab_hbm.at[pl.ds(rvec[lane], 1)],
                        rrows_v.at[pl.ds(base + lane, 1)], sem)
                @pl.when(c > 0)
                def _():
                    pltpu.make_async_copy(
                        dtab_hbm.at[pl.ds(0, L)],
                        drows_v.at[pl.ds(base - L, L)], sem).wait()
                    pltpu.make_async_copy(
                        rtab_hbm.at[pl.ds(0, L)],
                        rrows_v.at[pl.ds(base - L, L)], sem).wait()
                return 0

            lax.fori_loop(0, half_steps, step, 0)
            last = (half_steps - 1) * L
            pltpu.make_async_copy(dtab_hbm.at[pl.ds(0, L)],
                                  drows_v.at[pl.ds(last, L)], sem).wait()
            pltpu.make_async_copy(rtab_hbm.at[pl.ds(0, L)],
                                  rrows_v.at[pl.ds(last, L)], sem).wait()

            base = wid * b_per_w + p * (b_per_w // 2)
            pltpu.sync_copy(drows_v, dout_hbm.at[pl.ds(base, b_per_w // 2)])
            pltpu.sync_copy(rrows_v, rout_hbm.at[pl.ds(base, b_per_w // 2)])

    return gather_kernel(didx2, ridx2, drug_table, reaction_table)


def _mlp_body(dr, rr, age, sx, rt, stab, rtab,
              w1a, w1b, w1age, w1d, w1e, b1, w2, b2, w3, b3, out):
    TB = dr.shape[0]
    f32 = jnp.float32
    acc = jnp.dot(dr[...], w1a[...], preferred_element_type=f32)
    acc = acc + jnp.dot(rr[...], w1b[...], preferred_element_type=f32)
    acc = acc + age[...] * w1age[...]
    n_sex = stab.shape[0]
    soh = (sx[...] == lax.broadcasted_iota(jnp.int32, (TB, n_sex), 1)
           ).astype(f32)
    sproj = jnp.dot(stab[...], w1d[...], preferred_element_type=f32)
    acc = acc + jnp.dot(soh, sproj, preferred_element_type=f32)
    n_route = rtab.shape[0]
    roh = (rt[...] == lax.broadcasted_iota(jnp.int32, (TB, n_route), 1)
           ).astype(f32)
    rproj = jnp.dot(rtab[...], w1e[...], preferred_element_type=f32)
    acc = acc + jnp.dot(roh, rproj, preferred_element_type=f32)
    h = jnp.maximum(acc + b1[...], 0.0)
    h = jnp.maximum(jnp.dot(h, w2[...], preferred_element_type=f32)
                    + b2[...], 0.0)
    o = jnp.dot(h, w3[...], preferred_element_type=f32) + b3[...]
    out[...] = jax.nn.sigmoid(o)


def kernel(drug_indices, reaction_indices, age, sex_indices, route_indices,
           drug_table, reaction_table, sex_table, route_table,
           W1, b1, W2, b2, W3, b3):
    B = drug_indices.shape[0]
    EMB = drug_table.shape[1]
    SEX_EMB = sex_table.shape[1]
    ROUTE_EMB = route_table.shape[1]
    H1 = W1.shape[1]
    H2 = W2.shape[1]

    drug_rows, reaction_rows = _sc_gather(
        drug_indices, reaction_indices, drug_table, reaction_table)

    w1a = W1[:EMB]
    w1b = W1[EMB:2 * EMB]
    w1age = W1[2 * EMB:2 * EMB + 1]
    w1d = W1[2 * EMB + 1:2 * EMB + 1 + SEX_EMB]
    w1e = W1[2 * EMB + 1 + SEX_EMB:]

    TB = 2048
    grid = (B // TB,)

    def blk(shape):
        return pl.BlockSpec(shape, lambda i: (0,) * len(shape))

    out = pl.pallas_call(
        _mlp_body,
        grid=grid,
        in_specs=[
            pl.BlockSpec((TB, EMB), lambda i: (i, 0)),
            pl.BlockSpec((TB, EMB), lambda i: (i, 0)),
            pl.BlockSpec((TB, 1), lambda i: (i, 0)),
            pl.BlockSpec((TB, 1), lambda i: (i, 0)),
            pl.BlockSpec((TB, 1), lambda i: (i, 0)),
            blk(sex_table.shape),
            blk(route_table.shape),
            blk((EMB, H1)),
            blk((EMB, H1)),
            blk((1, H1)),
            blk((SEX_EMB, H1)),
            blk((ROUTE_EMB, H1)),
            blk((1, H1)),
            blk((H1, H2)),
            blk((1, H2)),
            blk((H2, 1)),
            blk((1, 1)),
        ],
        out_specs=pl.BlockSpec((TB, 1), lambda i: (i, 0)),
        out_shape=jax.ShapeDtypeStruct((B, 1), jnp.float32),
    )(drug_rows, reaction_rows,
      age.reshape(B, 1), sex_indices.reshape(B, 1),
      route_indices.reshape(B, 1),
      sex_table, route_table,
      w1a, w1b, w1age, w1d, w1e,
      b1.reshape(1, H1), W2, b2.reshape(1, H2), W3, b3.reshape(1, 1))
    return out

# --- scband reference (transcript-rebuilt; emitter-appended) ---
"""Pipeline reference for scband-drug-reaction-model-with-features-39676907880722 (READ-ONLY COPY).

The authoritative reference and input builder live on the scoring server;
editing this copy changes nothing except your own understanding.
"""

import jax, jax.numpy as jnp
import numpy as np

N_DRUGS = 1000000
N_REACTIONS = 100000
EMB = 64
SEX_CAT = 3
SEX_EMB = 8
ROUTE_CAT = 64
ROUTE_EMB = 16
BATCH = 16384
INPUT_DIM = EMB * 2 + 1 + SEX_EMB + ROUTE_EMB  # 153
H1, H2 = 128, 64


def setup_inputs(seed: int = 0) -> dict:
    key = jax.random.key(seed)
    ks = jax.random.split(key, 16)
    drug_indices = jax.random.randint(ks[0], (BATCH,), 0, N_DRUGS, dtype=jnp.int32)
    reaction_indices = jax.random.randint(ks[1], (BATCH,), 0, N_REACTIONS, dtype=jnp.int32)
    age = jax.random.uniform(ks[2], (BATCH,), dtype=jnp.float32)
    sex_indices = jax.random.randint(ks[3], (BATCH,), 0, SEX_CAT, dtype=jnp.int32)
    route_indices = jax.random.randint(ks[4], (BATCH,), 0, ROUTE_CAT, dtype=jnp.int32)
    drug_table = jax.random.normal(ks[5], (N_DRUGS, EMB), dtype=jnp.float32) * 0.01
    reaction_table = jax.random.normal(ks[6], (N_REACTIONS, EMB), dtype=jnp.float32) * 0.01
    sex_table = jax.random.normal(ks[7], (SEX_CAT, SEX_EMB), dtype=jnp.float32) * 0.01
    route_table = jax.random.normal(ks[8], (ROUTE_CAT, ROUTE_EMB), dtype=jnp.float32) * 0.01
    W1 = jax.random.normal(ks[9], (INPUT_DIM, H1), dtype=jnp.float32) * (1.0 / np.sqrt(INPUT_DIM))
    b1 = jnp.zeros((H1,), dtype=jnp.float32)
    W2 = jax.random.normal(ks[10], (H1, H2), dtype=jnp.float32) * (1.0 / np.sqrt(H1))
    b2 = jnp.zeros((H2,), dtype=jnp.float32)
    W3 = jax.random.normal(ks[11], (H2, 1), dtype=jnp.float32) * (1.0 / np.sqrt(H2))
    b3 = jnp.zeros((1,), dtype=jnp.float32)
    return {
        'drug_indices': drug_indices,
        'reaction_indices': reaction_indices,
        'age': age,
        'sex_indices': sex_indices,
        'route_indices': route_indices,
        'drug_table': drug_table,
        'reaction_table': reaction_table,
        'sex_table': sex_table,
        'route_table': route_table,
        'W1': W1, 'b1': b1, 'W2': W2, 'b2': b2, 'W3': W3, 'b3': b3,
    }


def reference(drug_indices, reaction_indices, age, sex_indices, route_indices,
              drug_table, reaction_table, sex_table, route_table,
              W1, b1, W2, b2, W3, b3):
    drug_emb = jnp.take(drug_table, drug_indices, axis=0)
    reaction_emb = jnp.take(reaction_table, reaction_indices, axis=0)
    age_feature = age.reshape(-1, 1)
    sex_emb = jnp.take(sex_table, sex_indices, axis=0)
    route_emb = jnp.take(route_table, route_indices, axis=0)
    combined = jnp.concatenate([drug_emb, reaction_emb, age_feature, sex_emb, route_emb], axis=1)
    h = jax.nn.relu(combined @ W1 + b1)  # dropout is identity in eval mode
    h = jax.nn.relu(h @ W2 + b2)
    out = h @ W3 + b3
    return jax.nn.sigmoid(out)

if __name__ == "__main__":
    import jax
    _d = setup_inputs()
    print(jax.jit(kernel)(*tuple(_d.values())))

</pallas_src>

<mosaic_0001>
#map = affine_map<(d0, d1) -> (0, 0)>
module attributes {stable_mosaic.version = 14 : i64} {
  func.func @gather_kernel(%arg0: i32, %arg1: i32, %arg2: memref<128x128xi32, #tpu.memory_space<hbm>>, %arg3: memref<128x128xi32, #tpu.memory_space<hbm>>, %arg4: memref<1000000x64xf32, #tpu.memory_space<hbm>>, %arg5: memref<100000x64xf32, #tpu.memory_space<hbm>>, %arg6: memref<16384x64xf32, #tpu.memory_space<hbm>>, %arg7: memref<16384x64xf32, #tpu.memory_space<hbm>>, %arg8: memref<4x128xi32, #tpu.memory_space<vmem>>, %arg9: memref<4x128xi32, #tpu.memory_space<vmem>>, %arg10: memref<256x64xf32, #tpu.memory_space<vmem>>, %arg11: memref<256x64xf32, #tpu.memory_space<vmem>>, %arg12: memref<!tpu.dma_semaphore, #tpu.memory_space<semaphore_mem>>) attributes {dimension_semantics = [#tpu.dimension_semantics<core_parallel>, #tpu.dimension_semantics<subcore_parallel>], iteration_bounds = array<i64: 2, 16>, scalar_prefetch = 0 : i64, scratch_operands = 5 : i64, tpu.core_type = #tpu.core_type<sc_vector_subcore>, window_params = [{transform_indices = #map}, {transform_indices = #map}, {transform_indices = #map}, {transform_indices = #map}, {transform_indices = #map}, {transform_indices = #map}]} {
    %mul3A = arith.constant 2 : i32
    %mul3A_0 = arith.muli %arg1, %mul3A : i32
    %add3A = arith.addi %mul3A_0, %arg0 : i32
    %mul3A_1 = arith.constant 4 : i32
    %mul3A_2 = arith.muli %add3A, %mul3A_1 : i32
    "tpu.region"() ({
      %run_scoped3A = tpu.sem_alloc : memref<!tpu.dma_semaphore, #tpu.memory_space<semaphore_mem>>
      %dma_start3A = arith.constant 0 : i32
      %dma_start3A_71 = tpu.memref_slice %arg2[%mul3A_2, %dma_start3A] : memref<128x128xi32, #tpu.memory_space<hbm>> -> memref<4x128xi32, #tpu.memory_space<hbm>>
      %dma_start3A_72 = arith.constant 0 : i32
      %dma_start3A_73 = tpu.memref_slice %arg2[%mul3A_2, %dma_start3A_72] : memref<128x128xi32, #tpu.memory_space<hbm>> -> memref<4x128xi32, #tpu.memory_space<hbm>>
      tpu.enqueue_dma source(%dma_start3A_73 : memref<4x128xi32, #tpu.memory_space<hbm>>) target(%arg8 : memref<4x128xi32, #tpu.memory_space<vmem>>) target_semaphore(%run_scoped3A : memref<!tpu.dma_semaphore, #tpu.memory_space<semaphore_mem>>)
      %dma_wait3A_74 = arith.constant 0 : i32
      %dma_wait3A_75 = tpu.memref_slice %arg2[%mul3A_2, %dma_wait3A_74] : memref<128x128xi32, #tpu.memory_space<hbm>> -> memref<4x128xi32, #tpu.memory_space<hbm>>
      %dma_wait3A_76 = arith.constant 0 : i32
      %dma_wait3A_77 = tpu.memref_slice %arg2[%mul3A_2, %dma_wait3A_76] : memref<128x128xi32, #tpu.memory_space<hbm>> -> memref<4x128xi32, #tpu.memory_space<hbm>>
      tpu.wait_dma2 semaphore(%run_scoped3A : memref<!tpu.dma_semaphore, #tpu.memory_space<semaphore_mem>>) src(%dma_wait3A_77 : memref<4x128xi32, #tpu.memory_space<hbm>>) dst(%arg8 : memref<4x128xi32, #tpu.memory_space<vmem>>)
      tpu.yield
    }) : () -> ()
    "tpu.region"() ({
      %run_scoped3A = tpu.sem_alloc : memref<!tpu.dma_semaphore, #tpu.memory_space<semaphore_mem>>
      %dma_start3A = arith.constant 0 : i32
      %dma_start3A_71 = tpu.memref_slice %arg3[%mul3A_2, %dma_start3A] : memref<128x128xi32, #tpu.memory_space<hbm>> -> memref<4x128xi32, #tpu.memory_space<hbm>>
      %dma_start3A_72 = arith.constant 0 : i32
      %dma_start3A_73 = tpu.memref_slice %arg3[%mul3A_2, %dma_start3A_72] : memref<128x128xi32, #tpu.memory_space<hbm>> -> memref<4x128xi32, #tpu.memory_space<hbm>>
      tpu.enqueue_dma source(%dma_start3A_73 : memref<4x128xi32, #tpu.memory_space<hbm>>) target(%arg9 : memref<4x128xi32, #tpu.memory_space<vmem>>) target_semaphore(%run_scoped3A : memref<!tpu.dma_semaphore, #tpu.memory_space<semaphore_mem>>)
      %dma_wait3A_74 = arith.constant 0 : i32
      %dma_wait3A_75 = tpu.memref_slice %arg3[%mul3A_2, %dma_wait3A_74] : memref<128x128xi32, #tpu.memory_space<hbm>> -> memref<4x128xi32, #tpu.memory_space<hbm>>
      %dma_wait3A_76 = arith.constant 0 : i32
      %dma_wait3A_77 = tpu.memref_slice %arg3[%mul3A_2, %dma_wait3A_76] : memref<128x128xi32, #tpu.memory_space<hbm>> -> memref<4x128xi32, #tpu.memory_space<hbm>>
      tpu.wait_dma2 semaphore(%run_scoped3A : memref<!tpu.dma_semaphore, #tpu.memory_space<semaphore_mem>>) src(%dma_wait3A_77 : memref<4x128xi32, #tpu.memory_space<hbm>>) dst(%arg9 : memref<4x128xi32, #tpu.memory_space<vmem>>)
      tpu.yield
    }) : () -> ()
    %scan3A = arith.constant 0 : i32
    %scan3A_3 = arith.constant 0 : i32
    %scan3A_4 = arith.constant 16 : i32
    %scan3A_5 = arith.addi %scan3A_3, %scan3A_4 : i32
    %scan3A_6 = arith.constant 1 : i32
    %scan3A_7 = scf.for %scan3A_71 = %scan3A_3 to %scan3A_5 step %scan3A_6 iter_args(%scan3A_72 = %scan3A) -> (i32)  : i32 {
      %add3A_73 = arith.constant 0 : i32
      %add3A_74 = arith.addi %add3A_73, %scan3A_71 : i32
      %jit3A = arith.constant 8 : i32
      %div3A = arith.divsi %add3A_74, %jit3A : i32
      %sign3A = arith.constant 0 : i32
      %sign3A_75 = arith.cmpi sgt, %add3A_74, %sign3A : i32
      %sign3A_76 = arith.extui %sign3A_75 : i1 to i32
      %sign3A_77 = arith.constant 0 : i32
      %sign3A_78 = arith.cmpi slt, %add3A_74, %sign3A_77 : i32
      %sign3A_79 = arith.extui %sign3A_78 : i1 to i32
      %sign3A_80 = arith.subi %sign3A_76, %sign3A_79 : i32
      %sign3A_81 = arith.constant 0 : i32
      %sign3A_82 = arith.cmpi sgt, %jit3A, %sign3A_81 : i32
      %sign3A_83 = arith.extui %sign3A_82 : i1 to i32
      %sign3A_84 = arith.constant 0 : i32
      %sign3A_85 = arith.cmpi slt, %jit3A, %sign3A_84 : i32
      %sign3A_86 = arith.extui %sign3A_85 : i1 to i32
      %sign3A_87 = arith.subi %sign3A_83, %sign3A_86 : i32
      %ne3A = arith.cmpi ne, %sign3A_80, %sign3A_87 : i32
      %rem3A = arith.remsi %add3A_74, %jit3A : i32
      %ne3A_88 = arith.constant 0 : i32
      %ne3A_89 = arith.cmpi ne, %rem3A, %ne3A_88 : i32
      %and3A = arith.andi %ne3A, %ne3A_89 : i1
      %sub3A = arith.constant 1 : i32
      %sub3A_90 = arith.subi %div3A, %sub3A : i32
      %select_n3A = arith.select %and3A, %sub3A_90, %div3A : i32
      %jit3A_91 = arith.constant 8 : i32
      %eq3A = arith.constant 0 : i32
      %eq3A_92 = arith.cmpi eq, %jit3A_91, %eq3A : i32
      %jit3A_93 = arith.constant 1 : i32
      %select_n3A_94 = arith.select %eq3A_92, %jit3A_93, %jit3A_91 : i32
      %rem3A_95 = arith.remsi %add3A_74, %select_n3A_94 : i32
      %ne3A_96 = arith.constant 0 : i32
      %ne3A_97 = arith.cmpi ne, %rem3A_95, %ne3A_96 : i32
      %lt3A = arith.constant 0 : i32
      %lt3A_98 = arith.cmpi slt, %rem3A_95, %lt3A : i32
      %lt3A_99 = arith.constant 0 : i32
      %lt3A_100 = arith.cmpi slt, %select_n3A_94, %lt3A_99 : i32
      %ne3A_101 = arith.xori %lt3A_98, %lt3A_100 : i1
      %and3A_102 = arith.andi %ne3A_101, %ne3A_97 : i1
      %add3A_103 = arith.addi %rem3A_95, %select_n3A_94 : i32
      %select_n3A_104 = arith.select %and3A_102, %add3A_103, %rem3A_95 : i32
      %mul3A_105 = arith.constant 16 : i32
      %mul3A_106 = arith.muli %select_n3A_104, %mul3A_105 : i32
      %get3A = arith.index_cast %select_n3A : i32 to index
      %get3A_107 = arith.index_cast %mul3A_106 : i32 to index
      %get3A_108 = tpu.vector_load %arg8[%get3A, %get3A_107] {strides = array<i32>} : memref<4x128xi32, #tpu.memory_space<vmem>>, vector<1x16xi32>,
      %get3A_109 = vector.shape_cast %get3A_108 : vector<1x16xi32> to vector<16xi32>
      %get3A_110 = arith.index_cast %select_n3A : i32 to index
      %get3A_111 = arith.index_cast %mul3A_106 : i32 to index
      %get3A_112 = tpu.vector_load %arg9[%get3A_110, %get3A_111] {strides = array<i32>} : memref<4x128xi32, #tpu.memory_space<vmem>>, vector<1x16xi32>,
      %get3A_113 = vector.shape_cast %get3A_112 : vector<1x16xi32> to vector<16xi32>
      %mul3A_114 = arith.constant 16 : i32
      %mul3A_115 = arith.muli %scan3A_71, %mul3A_114 : i32
      %slice3A = vector.extract_strided_slice %get3A_109 {offsets = [0], sizes = [1], strides = [1]} : vector<16xi32> to vector<1xi32>
      %squeeze3A = vector.extract %slice3A[0] : i32 from vector<1xi32>
      %add3A_116 = arith.constant 0 : i32
      %add3A_117 = arith.addi %mul3A_115, %add3A_116 : i32
      %dma_start3A = arith.constant 0 : i32
      %dma_start3A_118 = tpu.memref_slice %arg10[%add3A_117, %dma_start3A] : memref<256x64xf32, #tpu.memory_space<vmem>> -> memref<1x64xf32, #tpu.memory_space<vmem>>
      %dma_start3A_119 = arith.constant 0 : i32
      %dma_start3A_120 = tpu.memref_slice %arg4[%squeeze3A, %dma_start3A_119] : memref<1000000x64xf32, #tpu.memory_space<hbm>> -> memref<1x64xf32, #tpu.memory_space<hbm>>
      %dma_start3A_121 = arith.constant 0 : i32
      %dma_start3A_122 = tpu.memref_slice %arg10[%add3A_117, %dma_start3A_121] : memref<256x64xf32, #tpu.memory_space<vmem>> -> memref<1x64xf32, #tpu.memory_space<vmem>>
      %dma_start3A_123 = arith.constant 0 : i32
      %dma_start3A_124 = tpu.memref_slice %arg4[%squeeze3A, %dma_start3A_123] : memref<1000000x64xf32, #tpu.memory_space<hbm>> -> memref<1x64xf32, #tpu.memory_space<hbm>>
      tpu.enqueue_dma source(%dma_start3A_124 : memref<1x64xf32, #tpu.memory_space<hbm>>) target(%dma_start3A_122 : memref<1x64xf32, #tpu.memory_space<vmem>>) target_semaphore(%arg12 : memref<!tpu.dma_semaphore, #tpu.memory_space<semaphore_mem>>)
      %slice3A_125 = vector.extract_strided_slice %get3A_113 {offsets = [0], sizes = [1], strides = [1]} : vector<16xi32> to vector<1xi32>
      %squeeze3A_126 = vector.extract %slice3A_125[0] : i32 from vector<1xi32>
      %add3A_127 = arith.constant 0 : i32
      %add3A_128 = arith.addi %mul3A_115, %add3A_127 : i32
      %dma_start3A_129 = arith.constant 0 : i32
      %dma_start3A_130 = tpu.memref_slice %arg11[%add3A_128, %dma_start3A_129] : memref<256x64xf32, #tpu.memory_space<vmem>> -> memref<1x64xf32, #tpu.memory_space<vmem>>
      %dma_start3A_131 = arith.constant 0 : i32
      %dma_start3A_132 = tpu.memref_slice %arg5[%squeeze3A_126, %dma_start3A_131] : memref<100000x64xf32, #tpu.memory_space<hbm>> -> memref<1x64xf32, #tpu.memory_space<hbm>>
      %dma_start3A_133 = arith.constant 0 : i32
      %dma_start3A_134 = tpu.memref_slice %arg11[%add3A_128, %dma_start3A_133] : memref<256x64xf32, #tpu.memory_space<vmem>> -> memref<1x64xf32, #tpu.memory_space<vmem>>
      %dma_start3A_135 = arith.constant 0 : i32
      %dma_start3A_136 = tpu.memref_slice %arg5[%squeeze3A_126, %dma_start3A_135] : memref<100000x64xf32, #tpu.memory_space<hbm>> -> memref<1x64xf32, #tpu.memory_space<hbm>>
      tpu.enqueue_dma source(%dma_start3A_136 : memref<1x64xf32, #tpu.memory_space<hbm>>) target(%dma_start3A_134 : memref<1x64xf32, #tpu.memory_space<vmem>>) target_semaphore(%arg12 : memref<!tpu.dma_semaphore, #tpu.memory_space<semaphore_mem>>)
      %slice3A_137 = vector.extract_strided_slice %get3A_109 {offsets = [1], sizes = [1], strides = [1]} : vector<16xi32> to vector<1xi32>
      %squeeze3A_138 = vector.extract %slice3A_137[0] : i32 from vector<1xi32>
      %add3A_139 = arith.constant 1 : i32
      %add3A_140 = arith.addi %mul3A_115, %add3A_139 : i32
      %dma_start3A_141 = arith.constant 0 : i32
      %dma_start3A_142 = tpu.memref_slice %arg10[%add3A_140, %dma_start3A_141] : memref<256x64xf32, #tpu.memory_space<vmem>> -> memref<1x64xf32, #tpu.memory_space<vmem>>
      %dma_start3A_143 = arith.constant 0 : i32
      %dma_start3A_144 = tpu.memref_slice %arg4[%squeeze3A_138, %dma_start3A_143] : memref<1000000x64xf32, #tpu.memory_space<hbm>> -> memref<1x64xf32, #tpu.memory_space<hbm>>
      %dma_start3A_145 = arith.constant 0 : i32
      %dma_start3A_146 = tpu.memref_slice %arg10[%add3A_140, %dma_start3A_145] : memref<256x64xf32, #tpu.memory_space<vmem>> -> memref<1x64xf32, #tpu.memory_space<vmem>>
      %dma_start3A_147 = arith.constant 0 : i32
      %dma_start3A_148 = tpu.memref_slice %arg4[%squeeze3A_138, %dma_start3A_147] : memref<1000000x64xf32, #tpu.memory_space<hbm>> -> memref<1x64xf32, #tpu.memory_space<hbm>>
      tpu.enqueue_dma source(%dma_start3A_148 : memref<1x64xf32, #tpu.memory_space<hbm>>) target(%dma_start3A_146 : memref<1x64xf32, #tpu.memory_space<vmem>>) target_semaphore(%arg12 : memref<!tpu.dma_semaphore, #tpu.memory_space<semaphore_mem>>)
      %slice3A_149 = vector.extract_strided_slice %get3A_113 {offsets = [1], sizes = [1], strides = [1]} : vector<16xi32> to vector<1xi32>
      %squeeze3A_150 = vector.extract %slice3A_149[0] : i32 from vector<1xi32>
      %add3A_151 = arith.constant 1 : i32
      %add3A_152 = arith.addi %mul3A_115, %add3A_151 : i32
      %dma_start3A_153 = arith.constant 0 : i32
      %dma_start3A_154 = tpu.memref_slice %arg11[%add3A_152, %dma_start3A_153] : memref<256x64xf32, #tpu.memory_space<vmem>> -> memref<1x64xf32, #tpu.memory_space<vmem>>
      %dma_start3A_155 = arith.constant 0 : i32
      %dma_start3A_156 = tpu.memref_slice %arg5[%squeeze3A_150, %dma_start3A_155] : memref<100000x64xf32, #tpu.memory_space<hbm>> -> memref<1x64xf32, #tpu.memory_space<hbm>>
      %dma_start3A_157 = arith.constant 0 : i32
      %dma_start3A_158 = tpu.memref_slice %arg11[%add3A_152, %dma_start3A_157] : memref<256x64xf32, #tpu.memory_space<vmem>> -> memref<1x64xf32, #tpu.memory_space<vmem>>
      %dma_start3A_159 = arith.constant 0 : i32
      %dma_start3A_160 = tpu.memref_slice %arg5[%squeeze3A_150, %dma_start3A_159] : memref<100000x64xf32, #tpu.memory_space<hbm>> -> memref<1x64xf32, #tpu.memory_space<hbm>>
      tpu.enqueue_dma source(%dma_start3A_160 : memref<1x64xf32, #tpu.memory_space<hbm>>) target(%dma_start3A_158 : memref<1x64xf32, #tpu.memory_space<vmem>>) target_semaphore(%arg12 : memref<!tpu.dma_semaphore, #tpu.memory_space<semaphore_mem>>)
      %slice3A_161 = vector.extract_strided_slice %get3A_109 {offsets = [2], sizes = [1], strides = [1]} : vector<16xi32> to vector<1xi32>
      %squeeze3A_162 = vector.extract %slice3A_161[0] : i32 from vector<1xi32>
      %add3A_163 = arith.constant 2 : i32
      %add3A_164 = arith.addi %mul3A_115, %add3A_163 : i32
      %dma_start3A_165 = arith.constant 0 : i32
      %dma_start3A_166 = tpu.memref_slice %arg10[%add3A_164, %dma_start3A_165] : memref<256x64xf32, #tpu.memory_space<vmem>> -> memref<1x64xf32, #tpu.memory_space<vmem>>
      %dma_start3A_167 = arith.constant 0 : i32
      %dma_start3A_168 = tpu.memref_slice %arg4[%squeeze3A_162, %dma_start3A_167] : memref<1000000x64xf32, #tpu.memory_space<hbm>> -> memref<1x64xf32, #tpu.memory_space<hbm>>
      %dma_start3A_169 = arith.constant 0 : i32
      %dma_start3A_170 = tpu.memref_slice %arg10[%add3A_164, %dma_start3A_169] : memref<256x64xf32, #tpu.memory_space<vmem>> -> memref<1x64xf32, #tpu.memory_space<vmem>>
      %dma_start3A_171 = arith.constant 0 : i32
      %dma_start3A_172 = tpu.memref_slice %arg4[%squeeze3A_162, %dma_start3A_171] : memref<1000000x64xf32, #tpu.memory_space<hbm>> -> memref<1x64xf32, #tpu.memory_space<hbm>>
      tpu.enqueue_dma source(%dma_start3A_172 : memref<1x64xf32, #tpu.memory_space<hbm>>) target(%dma_start3A_170 : memref<1x64xf32, #tpu.memory_space<vmem>>) target_semaphore(%arg12 : memref<!tpu.dma_semaphore, #tpu.memory_space<semaphore_mem>>)
      %slice3A_173 = vector.extract_strided_slice %get3A_113 {offsets = [2], sizes = [1], strides = [1]} : vector<16xi32> to vector<1xi32>
      %squeeze3A_174 = vector.extract %slice3A_173[0] : i32 from vector<1xi32>
      %add3A_175 = arith.constant 2 : i32
      %add3A_176 = arith.addi %mul3A_115, %add3A_175 : i32
      %dma_start3A_177 = arith.constant 0 : i32
      %dma_start3A_178 = tpu.memref_slice %arg11[%add3A_176, %dma_start3A_177] : memref<256x64xf32, #tpu.memory_space<vmem>> -> memref<1x64xf32, #tpu.memory_space<vmem>>
      %dma_start3A_179 = arith.constant 0 : i32
      %dma_start3A_180 = tpu.memref_slice %arg5[%squeeze3A_174, %dma_start3A_179] : memref<100000x64xf32, #tpu.memory_space<hbm>> -> memref<1x64xf32, #tpu.memory_space<hbm>>
      %dma_start3A_181 = arith.constant 0 : i32
      %dma_start3A_182 = tpu.memref_slice %arg11[%add3A_176, %dma_start3A_181] : memref<256x64xf32, #tpu.memory_space<vmem>> -> memref<1x64xf32, #tpu.memory_space<vmem>>
      %dma_start3A_183 = arith.constant 0 : i32
      %dma_start3A_184 = tpu.memref_slice %arg5[%squeeze3A_174, %dma_start3A_183] : memref<100000x64xf32, #tpu.memory_space<hbm>> -> memref<1x64xf32, #tpu.memory_space<hbm>>
      tpu.enqueue_dma source(%dma_start3A_184 : memref<1x64xf32, #tpu.memory_space<hbm>>) target(%dma_start3A_182 : memref<1x64xf32, #tpu.memory_space<vmem>>) target_semaphore(%arg12 : memref<!tpu.dma_semaphore, #tpu.memory_space<semaphore_mem>>)
      %slice3A_185 = vector.extract_strided_slice %get3A_109 {offsets = [3], sizes = [1], strides = [1]} : vector<16xi32> to vector<1xi32>
      %squeeze3A_186 = vector.extract %slice3A_185[0] : i32 from vector<1xi32>
      %add3A_187 = arith.constant 3 : i32
      %add3A_188 = arith.addi %mul3A_115, %add3A_187 : i32
      %dma_start3A_189 = arith.constant 0 : i32
      %dma_start3A_190 = tpu.memref_slice %arg10[%add3A_188, %dma_start3A_189] : memref<256x64xf32, #tpu.memory_space<vmem>> -> memref<1x64xf32, #tpu.memory_space<vmem>>
      %dma_start3A_191 = arith.constant 0 : i32
      %dma_start3A_192 = tpu.memref_slice %arg4[%squeeze3A_186, %dma_start3A_191] : memref<1000000x64xf32, #tpu.memory_space<hbm>> -> memref<1x64xf32, #tpu.memory_space<hbm>>
      %dma_start3A_193 = arith.constant 0 : i32
      %dma_start3A_194 = tpu.memref_slice %arg10[%add3A_188, %dma_start3A_193] : memref<256x64xf32, #tpu.memory_space<vmem>> -> memref<1x64xf32, #tpu.memory_space<vmem>>
      %dma_start3A_195 = arith.constant 0 : i32
      %dma_start3A_196 = tpu.memref_slice %arg4[%squeeze3A_186, %dma_start3A_195] : memref<1000000x64xf32, #tpu.memory_space<hbm>> -> memref<1x64xf32, #tpu.memory_space<hbm>>
      tpu.enqueue_dma source(%dma_start3A_196 : memref<1x64xf32, #tpu.memory_space<hbm>>) target(%dma_start3A_194 : memref<1x64xf32, #tpu.memory_space<vmem>>) target_semaphore(%arg12 : memref<!tpu.dma_semaphore, #tpu.memory_space<semaphore_mem>>)
      %slice3A_197 = vector.extract_strided_slice %get3A_113 {offsets = [3], sizes = [1], strides = [1]} : vector<16xi32> to vector<1xi32>
      %squeeze3A_198 = vector.extract %slice3A_197[0] : i32 from vector<1xi32>
      %add3A_199 = arith.constant 3 : i32
      %add3A_200 = arith.addi %mul3A_115, %add3A_199 : i32
      %dma_start3A_201 = arith.constant 0 : i32
      %dma_start3A_202 = tpu.memref_slice %arg11[%add3A_200, %dma_start3A_201] : memref<256x64xf32, #tpu.memory_space<vmem>> -> memref<1x64xf32, #tpu.memory_space<vmem>>
      %dma_start3A_203 = arith.constant 0 : i32
      %dma_start3A_204 = tpu.memref_slice %arg5[%squeeze3A_198, %dma_start3A_203] : memref<100000x64xf32, #tpu.memory_space<hbm>> -> memref<1x64xf32, #tpu.memory_space<hbm>>
      %dma_start3A_205 = arith.constant 0 : i32
      %dma_start3A_206 = tpu.memref_slice %arg11[%add3A_200, %dma_start3A_205] : memref<256x64xf32, #tpu.memory_space<vmem>> -> memref<1x64xf32, #tpu.memory_space<vmem>>
      %dma_start3A_207 = arith.constant 0 : i32
      %dma_start3A_208 = tpu.memref_slice %arg5[%squeeze3A_198, %dma_start3A_207] : memref<100000x64xf32, #tpu.memory_space<hbm>> -> memref<1x64xf32, #tpu.memory_space<hbm>>
      tpu.enqueue_dma source(%dma_start3A_208 : memref<1x64xf32, #tpu.memory_space<hbm>>) target(%dma_start3A_206 : memref<1x64xf32, #tpu.memory_space<vmem>>) target_semaphore(%arg12 : memref<!tpu.dma_semaphore, #tpu.memory_space<semaphore_mem>>)
      %slice3A_209 = vector.extract_strided_slice %get3A_109 {offsets = [4], sizes = [1], strides = [1]} : vector<16xi32> to vector<1xi32>
      %squeeze3A_210 = vector.extract %slice3A_209[0] : i32 from vector<1xi32>
      %add3A_211 = arith.constant 4 : i32
      %add3A_212 = arith.addi %mul3A_115, %add3A_211 : i32
      %dma_start3A_213 = arith.constant 0 : i32
      %dma_start3A_214 = tpu.memref_slice %arg10[%add3A_212, %dma_start3A_213] : memref<256x64xf32, #tpu.memory_space<vmem>> -> memref<1x64xf32, #tpu.memory_space<vmem>>
      %dma_start3A_215 = arith.constant 0 : i32
      %dma_start3A_216 = tpu.memref_slice %arg4[%squeeze3A_210, %dma_start3A_215] : memref<1000000x64xf32, #tpu.memory_space<hbm>> -> memref<1x64xf32, #tpu.memory_space<hbm>>
      %dma_start3A_217 = arith.constant 0 : i32
      %dma_start3A_218 = tpu.memref_slice %arg10[%add3A_212, %dma_start3A_217] : memref<256x64xf32, #tpu.memory_space<vmem>> -> memref<1x64xf32, #tpu.memory_space<vmem>>
      %dma_start3A_219 = arith.constant 0 : i32
      %dma_start3A_220 = tpu.memref_slice %arg4[%squeeze3A_210, %dma_start3A_219] : memref<1000000x64xf32, #tpu.memory_space<hbm>> -> memref<1x64xf32, #tpu.memory_space<hbm>>
      tpu.enqueue_dma source(%dma_start3A_220 : memref<1x64xf32, #tpu.memory_space<hbm>>) target(%dma_start3A_218 : memref<1x64xf32, #tpu.memory_space<vmem>>) target_semaphore(%arg12 : memref<!tpu.dma_semaphore, #tpu.memory_space<semaphore_mem>>)
      %slice3A_221 = vector.extract_strided_slice %get3A_113 {offsets = [4], sizes = [1], strides = [1]} : vector<16xi32> to vector<1xi32>
      %squeeze3A_222 = vector.extract %slice3A_221[0] : i32 from vector<1xi32>
      %add3A_223 = arith.constant 4 : i32
      %add3A_224 = arith.addi %mul3A_115, %add3A_223 : i32
      %dma_start3A_225 = arith.constant 0 : i32
      %dma_start3A_226 = tpu.memref_slice %arg11[%add3A_224, %dma_start3A_225] : memref<256x64xf32, #tpu.memory_space<vmem>> -> memref<1x64xf32, #tpu.memory_space<vmem>>
      %dma_start3A_227 = arith.constant 0 : i32
      %dma_start3A_228 = tpu.memref_slice %arg5[%squeeze3A_222, %dma_start3A_227] : memref<100000x64xf32, #tpu.memory_space<hbm>> -> memref<1x64xf32, #tpu.memory_space<hbm>>
      %dma_start3A_229 = arith.constant 0 : i32
      %dma_start3A_230 = tpu.memref_slice %arg11[%add3A_224, %dma_start3A_229] : memref<256x64xf32, #tpu.memory_space<vmem>> -> memref<1x64xf32, #tpu.memory_space<vmem>>
      %dma_start3A_231 = arith.constant 0 : i32
      %dma_start3A_232 = tpu.memref_slice %arg5[%squeeze3A_222, %dma_start3A_231] : memref<100000x64xf32, #tpu.memory_space<hbm>> -> memref<1x64xf32, #tpu.memory_space<hbm>>
      tpu.enqueue_dma source(%dma_start3A_232 : memref<1x64xf32, #tpu.memory_space<hbm>>) target(%dma_start3A_230 : memref<1x64xf32, #tpu.memory_space<vmem>>) target_semaphore(%arg12 : memref<!tpu.dma_semaphore, #tpu.memory_space<semaphore_mem>>)
      %slice3A_233 = vector.extract_strided_slice %get3A_109 {offsets = [5], sizes = [1], strides = [1]} : vector<16xi32> to vector<1xi32>
      %squeeze3A_234 = vector.extract %slice3A_233[0] : i32 from vector<1xi32>
      %add3A_235 = arith.constant 5 : i32
      %add3A_236 = arith.addi %mul3A_115, %add3A_235 : i32
      %dma_start3A_237 = arith.constant 0 : i32
      %dma_start3A_238 = tpu.memref_slice %arg10[%add3A_236, %dma_start3A_237] : memref<256x64xf32, #tpu.memory_space<vmem>> -> memref<1x64xf32, #tpu.memory_space<vmem>>
      %dma_start3A_239 = arith.constant 0 : i32
      %dma_start3A_240 = tpu.memref_slice %arg4[%squeeze3A_234, %dma_start3A_239] : memref<1000000x64xf32, #tpu.memory_space<hbm>> -> memref<1x64xf32, #tpu.memory_space<hbm>>
      %dma_start3A_241 = arith.constant 0 : i32
      %dma_start3A_242 = tpu.memref_slice %arg10[%add3A_236, %dma_start3A_241] : memref<256x64xf32, #tpu.memory_space<vmem>> -> memref<1x64xf32, #tpu.memory_space<vmem>>
      %dma_start3A_243 = arith.constant 0 : i32
      %dma_start3A_244 = tpu.memref_slice %arg4[%squeeze3A_234, %dma_start3A_243] : memref<1000000x64xf32, #tpu.memory_space<hbm>> -> memref<1x64xf32, #tpu.memory_space<hbm>>
      tpu.enqueue_dma source(%dma_start3A_244 : memref<1x64xf32, #tpu.memory_space<hbm>>) target(%dma_start3A_242 : memref<1x64xf32, #tpu.memory_space<vmem>>) target_semaphore(%arg12 : memref<!tpu.dma_semaphore, #tpu.memory_space<semaphore_mem>>)
      %slice3A_245 = vector.extract_strided_slice %get3A_113 {offsets = [5], sizes = [1], strides = [1]} : vector<16xi32> to vector<1xi32>
      %squeeze3A_246 = vector.extract %slice3A_245[0] : i32 from vector<1xi32>
      %add3A_247 = arith.constant 5 : i32
      %add3A_248 = arith.addi %mul3A_115, %add3A_247 : i32
      %dma_start3A_249 = arith.constant 0 : i32
      %dma_start3A_250 = tpu.memref_slice %arg11[%add3A_248, %dma_start3A_249] : memref<256x64xf32, #tpu.memory_space<vmem>> -> memref<1x64xf32, #tpu.memory_space<vmem>>
      %dma_start3A_251 = arith.constant 0 : i32
      %dma_start3A_252 = tpu.memref_slice %arg5[%squeeze3A_246, %dma_start3A_251] : memref<100000x64xf32, #tpu.memory_space<hbm>> -> memref<1x64xf32, #tpu.memory_space<hbm>>
      %dma_start3A_253 = arith.constant 0 : i32
      %dma_start3A_254 = tpu.memref_slice %arg11[%add3A_248, %dma_start3A_253] : memref<256x64xf32, #tpu.memory_space<vmem>> -> memref<1x64xf32, #tpu.memory_space<vmem>>
      %dma_start3A_255 = arith.constant 0 : i32
      %dma_start3A_256 = tpu.memref_slice %arg5[%squeeze3A_246, %dma_start3A_255] : memref<100000x64xf32, #tpu.memory_space<hbm>> -> memref<1x64xf32, #tpu.memory_space<hbm>>
      tpu.enqueue_dma source(%dma_start3A_256 : memref<1x64xf32, #tpu.memory_space<hbm>>) target(%dma_start3A_254 : memref<1x64xf32, #tpu.memory_space<vmem>>) target_semaphore(%arg12 : memref<!tpu.dma_semaphore, #tpu.memory_space<semaphore_mem>>)
      %slice3A_257 = vector.extract_strided_slice %get3A_109 {offsets = [6], sizes = [1], strides = [1]} : vector<16xi32> to vector<1xi32>
      %squeeze3A_258 = vector.extract %slice3A_257[0] : i32 from vector<1xi32>
      %add3A_259 = arith.constant 6 : i32
      %add3A_260 = arith.addi %mul3A_115, %add3A_259 : i32
      %dma_start3A_261 = arith.constant 0 : i32
      %dma_start3A_262 = tpu.memref_slice %arg10[%add3A_260, %dma_start3A_261] : memref<256x64xf32, #tpu.memory_space<vmem>> -> memref<1x64xf32, #tpu.memory_space<vmem>>
      %dma_start3A_263 = arith.constant 0 : i32
      %dma_start3A_264 = tpu.memref_slice %arg4[%squeeze3A_258, %dma_start3A_263] : memref<1000000x64xf32, #tpu.memory_space<hbm>> -> memref<1x64xf32, #tpu.memory_space<hbm>>
      %dma_start3A_265 = arith.constant 0 : i32
      %dma_start3A_266 = tpu.memref_slice %arg10[%add3A_260, %dma_start3A_265] : memref<256x64xf32, #tpu.memory_space<vmem>> -> memref<1x64xf32, #tpu.memory_space<vmem>>
      %dma_start3A_267 = arith.constant 0 : i32
      %dma_start3A_268 = tpu.memref_slice %arg4[%squeeze3A_258, %dma_start3A_267] : memref<1000000x64xf32, #tpu.memory_space<hbm>> -> memref<1x64xf32, #tpu.memory_space<hbm>>
      tpu.enqueue_dma source(%dma_start3A_268 : memref<1x64xf32, #tpu.memory_space<hbm>>) target(%dma_start3A_266 : memref<1x64xf32, #tpu.memory_space<vmem>>) target_semaphore(%arg12 : memref<!tpu.dma_semaphore, #tpu.memory_space<semaphore_mem>>)
      %slice3A_269 = vector.extract_strided_slice %get3A_113 {offsets = [6], sizes = [1], strides = [1]} : vector<16xi32> to vector<1xi32>
      %squeeze3A_270 = vector.extract %slice3A_269[0] : i32 from vector<1xi32>
      %add3A_271 = arith.constant 6 : i32
      %add3A_272 = arith.addi %mul3A_115, %add3A_271 : i32
      %dma_start3A_273 = arith.constant 0 : i32
      %dma_start3A_274 = tpu.memref_slice %arg11[%add3A_272, %dma_start3A_273] : memref<256x64xf32, #tpu.memory_space<vmem>> -> memref<1x64xf32, #tpu.memory_space<vmem>>
      %dma_start3A_275 = arith.constant 0 : i32
      %dma_start3A_276 = tpu.memref_slice %arg5[%squeeze3A_270, %dma_start3A_275] : memref<100000x64xf32, #tpu.memory_space<hbm>> -> memref<1x64xf32, #tpu.memory_space<hbm>>
      %dma_start3A_277 = arith.constant 0 : i32
      %dma_start3A_278 = tpu.memref_slice %arg11[%add3A_272, %dma_start3A_277] : memref<256x64xf32, #tpu.memory_space<vmem>> -> memref<1x64xf32, #tpu.memory_space<vmem>>
      %dma_start3A_279 = arith.constant 0 : i32
      %dma_start3A_280 = tpu.memref_slice %arg5[%squeeze3A_270, %dma_start3A_279] : memref<100000x64xf32, #tpu.memory_space<hbm>> -> memref<1x64xf32, #tpu.memory_space<hbm>>
      tpu.enqueue_dma source(%dma_start3A_280 : memref<1x64xf32, #tpu.memory_space<hbm>>) target(%dma_start3A_278 : memref<1x64xf32, #tpu.memory_space<vmem>>) target_semaphore(%arg12 : memref<!tpu.dma_semaphore, #tpu.memory_space<semaphore_mem>>)
      %slice3A_281 = vector.extract_strided_slice %get3A_109 {offsets = [7], sizes = [1], strides = [1]} : vector<16xi32> to vector<1xi32>
      %squeeze3A_282 = vector.extract %slice3A_281[0] : i32 from vector<1xi32>
      %add3A_283 = arith.constant 7 : i32
      %add3A_284 = arith.addi %mul3A_115, %add3A_283 : i32
      %dma_start3A_285 = arith.constant 0 : i32
      %dma_start3A_286 = tpu.memref_slice %arg10[%add3A_284, %dma_start3A_285] : memref<256x64xf32, #tpu.memory_space<vmem>> -> memref<1x64xf32, #tpu.memory_space<vmem>>
      %dma_start3A_287 = arith.constant 0 : i32
      %dma_start3A_288 = tpu.memref_slice %arg4[%squeeze3A_282, %dma_start3A_287] : memref<1000000x64xf32, #tpu.memory_space<hbm>> -> memref<1x64xf32, #tpu.memory_space<hbm>>
      %dma_start3A_289 = arith.constant 0 : i32
      %dma_start3A_290 = tpu.memref_slice %arg10[%add3A_284, %dma_start3A_289] : memref<256x64xf32, #tpu.memory_space<vmem>> -> memref<1x64xf32, #tpu.memory_space<vmem>>
      %dma_start3A_291 = arith.constant 0 : i32
      %dma_start3A_292 = tpu.memref_slice %arg4[%squeeze3A_282, %dma_start3A_291] : memref<1000000x64xf32, #tpu.memory_space<hbm>> -> memref<1x64xf32, #tpu.memory_space<hbm>>
      tpu.enqueue_dma source(%dma_start3A_292 : memref<1x64xf32, #tpu.memory_space<hbm>>) target(%dma_start3A_290 : memref<1x64xf32, #tpu.memory_space<vmem>>) target_semaphore(%arg12 : memref<!tpu.dma_semaphore, #tpu.memory_space<semaphore_mem>>)
      %slice3A_293 = vector.extract_strided_slice %get3A_113 {offsets = [7], sizes = [1], strides = [1]} : vector<16xi32> to vector<1xi32>
      %squeeze3A_294 = vector.extract %slice3A_293[0] : i32 from vector<1xi32>
      %add3A_295 = arith.constant 7 : i32
      %add3A_296 = arith.addi %mul3A_115, %add3A_295 : i32
      %dma_start3A_297 = arith.constant 0 : i32
      %dma_start3A_298 = tpu.memref_slice %arg11[%add3A_296, %dma_start3A_297] : memref<256x64xf32, #tpu.memory_space<vmem>> -> memref<1x64xf32, #tpu.memory_space<vmem>>
      %dma_start3A_299 = arith.constant 0 : i32
      %dma_start3A_300 = tpu.memref_slice %arg5[%squeeze3A_294, %dma_start3A_299] : memref<100000x64xf32, #tpu.memory_space<hbm>> -> memref<1x64xf32, #tpu.memory_space<hbm>>
      %dma_start3A_301 = arith.constant 0 : i32
      %dma_start3A_302 = tpu.memref_slice %arg11[%add3A_296, %dma_start3A_301] : memref<256x64xf32, #tpu.memory_space<vmem>> -> memref<1x64xf32, #tpu.memory_space<vmem>>
      %dma_start3A_303 = arith.constant 0 : i32
      %dma_start3A_304 = tpu.memref_slice %arg5[%squeeze3A_294, %dma_start3A_303] : memref<100000x64xf32, #tpu.memory_space<hbm>> -> memref<1x64xf32, #tpu.memory_space<hbm>>
      tpu.enqueue_dma source(%dma_start3A_304 : memref<1x64xf32, #tpu.memory_space<hbm>>) target(%dma_start3A_302 : memref<1x64xf32, #tpu.memory_space<vmem>>) target_semaphore(%arg12 : memref<!tpu.dma_semaphore, #tpu.memory_space<semaphore_mem>>)
      %slice3A_305 = vector.extract_strided_slice %get3A_109 {offsets = [8], sizes = [1], strides = [1]} : vector<16xi32> to vector<1xi32>
      %squeeze3A_306 = vector.extract %slice3A_305[0] : i32 from vector<1xi32>
      %add3A_307 = arith.constant 8 : i32
      %add3A_308 = arith.addi %mul3A_115, %add3A_307 : i32
      %dma_start3A_309 = arith.constant 0 : i32
      %dma_start3A_310 = tpu.memref_slice %arg10[%add3A_308, %dma_start3A_309] : memref<256x64xf32, #tpu.memory_space<vmem>> -> memref<1x64xf32, #tpu.memory_space<vmem>>
      %dma_start3A_311 = arith.constant 0 : i32
      %dma_start3A_312 = tpu.memref_slice %arg4[%squeeze3A_306, %dma_start3A_311] : memref<1000000x64xf32, #tpu.memory_space<hbm>> -> memref<1x64xf32, #tpu.memory_space<hbm>>
      %dma_start3A_313 = arith.constant 0 : i32
      %dma_start3A_314 = tpu.memref_slice %arg10[%add3A_308, %dma_start3A_313] : memref<256x64xf32, #tpu.memory_space<vmem>> -> memref<1x64xf32, #tpu.memory_space<vmem>>
      %dma_start3A_315 = arith.constant 0 : i32
      %dma_start3A_316 = tpu.memref_slice %arg4[%squeeze3A_306, %dma_start3A_315] : memref<1000000x64xf32, #tpu.memory_space<hbm>> -> memref<1x64xf32, #tpu.memory_space<hbm>>
      tpu.enqueue_dma source(%dma_start3A_316 : memref<1x64xf32, #tpu.memory_space<hbm>>) target(%dma_start3A_314 : memref<1x64xf32, #tpu.memory_space<vmem>>) target_semaphore(%arg12 : memref<!tpu.dma_semaphore, #tpu.memory_space<semaphore_mem>>)
      %slice3A_317 = vector.extract_strided_slice %get3A_113 {offsets = [8], sizes = [1], strides = [1]} : vector<16xi32> to vector<1xi32>
      %squeeze3A_318 = vector.extract %slice3A_317[0] : i32 from vector<1xi32>
      %add3A_319 = arith.constant 8 : i32
      %add3A_320 = arith.addi %mul3A_115, %add3A_319 : i32
      %dma_start3A_321 = arith.constant 0 : i32
      %dma_start3A_322 = tpu.memref_slice %arg11[%add3A_320, %dma_start3A_321] : memref<256x64xf32, #tpu.memory_space<vmem>> -> memref<1x64xf32, #tpu.memory_space<vmem>>
      %dma_start3A_323 = arith.constant 0 : i32
      %dma_start3A_324 = tpu.memref_slice %arg5[%squeeze3A_318, %dma_start3A_323] : memref<100000x64xf32, #tpu.memory_space<hbm>> -> memref<1x64xf32, #tpu.memory_space<hbm>>
      %dma_start3A_325 = arith.constant 0 : i32
      %dma_start3A_326 = tpu.memref_slice %arg11[%add3A_320, %dma_start3A_325] : memref<256x64xf32, #tpu.memory_space<vmem>> -> memref<1x64xf32, #tpu.memory_space<vmem>>
      %dma_start3A_327 = arith.constant 0 : i32
      %dma_start3A_328 = tpu.memref_slice %arg5[%squeeze3A_318, %dma_start3A_327] : memref<100000x64xf32, #tpu.memory_space<hbm>> -> memref<1x64xf32, #tpu.memory_space<hbm>>
      tpu.enqueue_dma source(%dma_start3A_328 : memref<1x64xf32, #tpu.memory_space<hbm>>) target(%dma_start3A_326 : memref<1x64xf32, #tpu.memory_space<vmem>>) target_semaphore(%arg12 : memref<!tpu.dma_semaphore, #tpu.memory_space<semaphore_mem>>)
      %slice3A_329 = vector.extract_strided_slice %get3A_109 {offsets = [9], sizes = [1], strides = [1]} : vector<16xi32> to vector<1xi32>
      %squeeze3A_330 = vector.extract %slice3A_329[0] : i32 from vector<1xi32>
      %add3A_331 = arith.constant 9 : i32
      %add3A_332 = arith.addi %mul3A_115, %add3A_331 : i32
      %dma_start3A_333 = arith.constant 0 : i32
      %dma_start3A_334 = tpu.memref_slice %arg10[%add3A_332, %dma_start3A_333] : memref<256x64xf32, #tpu.memory_space<vmem>> -> memref<1x64xf32, #tpu.memory_space<vmem>>
      %dma_start3A_335 = arith.constant 0 : i32
      %dma_start3A_336 = tpu.memref_slice %arg4[%squeeze3A_330, %dma_start3A_335] : memref<1000000x64xf32, #tpu.memory_space<hbm>> -> memref<1x64xf32, #tpu.memory_space<hbm>>
      %dma_start3A_337 = arith.constant 0 : i32
      %dma_start3A_338 = tpu.memref_slice %arg10[%add3A_332, %dma_start3A_337] : memref<256x64xf32, #tpu.memory_space<vmem>> -> memref<1x64xf32, #tpu.memory_space<vmem>>
      %dma_start3A_339 = arith.constant 0 : i32
      %dma_start3A_340 = tpu.memref_slice %arg4[%squeeze3A_330, %dma_start3A_339] : memref<1000000x64xf32, #tpu.memory_space<hbm>> -> memref<1x64xf32, #tpu.memory_space<hbm>>
      tpu.enqueue_dma source(%dma_start3A_340 : memref<1x64xf32, #tpu.memory_space<hbm>>) target(%dma_start3A_338 : memref<1x64xf32, #tpu.memory_space<vmem>>) target_semaphore(%arg12 : memref<!tpu.dma_semaphore, #tpu.memory_space<semaphore_mem>>)
      %slice3A_341 = vector.extract_strided_slice %get3A_113 {offsets = [9], sizes = [1], strides = [1]} : vector<16xi32> to vector<1xi32>
      %squeeze3A_342 = vector.extract %slice3A_341[0] : i32 from vector<1xi32>
      %add3A_343 = arith.constant 9 : i32
      %add3A_344 = arith.addi %mul3A_115, %add3A_343 : i32
      %dma_start3A_345 = arith.constant 0 : i32
      %dma_start3A_346 = tpu.memref_slice %arg11[%add3A_344, %dma_start3A_345] : memref<256x64xf32, #tpu.memory_space<vmem>> -> memref<1x64xf32, #tpu.memory_space<vmem>>
      %dma_start3A_347 = arith.constant 0 : i32
      %dma_start3A_348 = tpu.memref_slice %arg5[%squeeze3A_342, %dma_start3A_347] : memref<100000x64xf32, #tpu.memory_space<hbm>> -> memref<1x64xf32, #tpu.memory_space<hbm>>
      %dma_start3A_349 = arith.constant 0 : i32
      %dma_start3A_350 = tpu.memref_slice %arg11[%add3A_344, %dma_start3A_349] : memref<256x64xf32, #tpu.memory_space<vmem>> -> memref<1x64xf32, #tpu.memory_space<vmem>>
      %dma_start3A_351 = arith.constant 0 : i32
      %dma_start3A_352 = tpu.memref_slice %arg5[%squeeze3A_342, %dma_start3A_351] : memref<100000x64xf32, #tpu.memory_space<hbm>> -> memref<1x64xf32, #tpu.memory_space<hbm>>
      tpu.enqueue_dma source(%dma_start3A_352 : memref<1x64xf32, #tpu.memory_space<hbm>>) target(%dma_start3A_350 : memref<1x64xf32, #tpu.memory_space<vmem>>) target_semaphore(%arg12 : memref<!tpu.dma_semaphore, #tpu.memory_space<semaphore_mem>>)
      %slice3A_353 = vector.extract_strided_slice %get3A_109 {offsets = [10], sizes = [1], strides = [1]} : vector<16xi32> to vector<1xi32>
      %squeeze3A_354 = vector.extract %slice3A_353[0] : i32 from vector<1xi32>
      %add3A_355 = arith.constant 10 : i32
      %add3A_356 = arith.addi %mul3A_115, %add3A_355 : i32
      %dma_start3A_357 = arith.constant 0 : i32
      %dma_start3A_358 = tpu.memref_slice %arg10[%add3A_356, %dma_start3A_357] : memref<256x64xf32, #tpu.memory_space<vmem>> -> memref<1x64xf32, #tpu.memory_space<vmem>>
      %dma_start3A_359 = arith.constant 0 : i32
      %dma_start3A_360 = tpu.memref_slice %arg4[%squeeze3A_354, %dma_start3A_359] : memref<1000000x64xf32, #tpu.memory_space<hbm>> -> memref<1x64xf32, #tpu.memory_space<hbm>>
      %dma_start3A_361 = arith.constant 0 : i32
      %dma_start3A_362 = tpu.memref_slice %arg10[%add3A_356, %dma_start3A_361] : memref<256x64xf32, #tpu.memory_space<vmem>> -> memref<1x64xf32, #tpu.memory_space<vmem>>
      %dma_start3A_363 = arith.constant 0 : i32
      %dma_start3A_364 = tpu.memref_slice %arg4[%squeeze3A_354, %dma_start3A_363] : memref<1000000x64xf32, #tpu.memory_space<hbm>> -> memref<1x64xf32, #tpu.memory_space<hbm>>
      tpu.enqueue_dma source(%dma_start3A_364 : memref<1x64xf32, #tpu.memory_space<hbm>>) target(%dma_start3A_362 : memref<1x64xf32, #tpu.memory_space<vmem>>) target_semaphore(%arg12 : memref<!tpu.dma_semaphore, #tpu.memory_space<semaphore_mem>>)
      %slice3A_365 = vector.extract_strided_slice %get3A_113 {offsets = [10], sizes = [1], strides = [1]} : vector<16xi32> to vector<1xi32>
      %squeeze3A_366 = vector.extract %slice3A_365[0] : i32 from vector<1xi32>
      %add3A_367 = arith.constant 10 : i32
      %add3A_368 = arith.addi %mul3A_115, %add3A_367 : i32
      %dma_start3A_369 = arith.constant 0 : i32
      %dma_start3A_370 = tpu.memref_slice %arg11[%add3A_368, %dma_start3A_369] : memref<256x64xf32, #tpu.memory_space<vmem>> -> memref<1x64xf32, #tpu.memory_space<vmem>>
      %dma_start3A_371 = arith.constant 0 : i32
      %dma_start3A_372 = tpu.memref_slice %arg5[%squeeze3A_366, %dma_start3A_371] : memref<100000x64xf32, #tpu.memory_space<hbm>> -> memref<1x64xf32, #tpu.memory_space<hbm>>
      %dma_start3A_373 = arith.constant 0 : i32
      %dma_start3A_374 = tpu.memref_slice %arg11[%add3A_368, %dma_start3A_373] : memref<256x64xf32, #tpu.memory_space<vmem>> -> memref<1x64xf32, #tpu.memory_space<vmem>>
      %dma_start3A_375 = arith.constant 0 : i32
      %dma_start3A_376 = tpu.memref_slice %arg5[%squeeze3A_366, %dma_start3A_375] : memref<100000x64xf32, #tpu.memory_space<hbm>> -> memref<1x64xf32, #tpu.memory_space<hbm>>
      tpu.enqueue_dma source(%dma_start3A_376 : memref<1x64xf32, #tpu.memory_space<hbm>>) target(%dma_start3A_374 : memref<1x64xf32, #tpu.memory_space<vmem>>) target_semaphore(%arg12 : memref<!tpu.dma_semaphore, #tpu.memory_space<semaphore_mem>>)
      %slice3A_377 = vector.extract_strided_slice %get3A_109 {offsets = [11], sizes = [1], strides = [1]} : vector<16xi32> to vector<1xi32>
      %squeeze3A_378 = vector.extract %slice3A_377[0] : i32 from vector<1xi32>
      %add3A_379 = arith.constant 11 : i32
      %add3A_380 = arith.addi %mul3A_115, %add3A_379 : i32
      %dma_start3A_381 = arith.constant 0 : i32
      %dma_start3A_382 = tpu.memref_slice %arg10[%add3A_380, %dma_start3A_381] : memref<256x64xf32, #tpu.memory_space<vmem>> -> memref<1x64xf32, #tpu.memory_space<vmem>>
      %dma_start3A_383 = arith.constant 0 : i32
      %dma_start3A_384 = tpu.memref_slice %arg4[%squeeze3A_378, %dma_start3A_383] : memref<1000000x64xf32, #tpu.memory_space<hbm>> -> memref<1x64xf32, #tpu.memory_space<hbm>>
      %dma_start3A_385 = arith.constant 0 : i32
      %dma_start3A_386 = tpu.memref_slice %arg10[%add3A_380, %dma_start3A_385] : memref<256x64xf32, #tpu.memory_space<vmem>> -> memref<1x64xf32, #tpu.memory_space<vmem>>
      %dma_start3A_387 = arith.constant 0 : i32
      %dma_start3A_388 = tpu.memref_slice %arg4[%squeeze3A_378, %dma_start3A_387] : memref<1000000x64xf32, #tpu.memory_space<hbm>> -> memref<1x64xf32, #tpu.memory_space<hbm>>
      tpu.enqueue_dma source(%dma_start3A_388 : memref<1x64xf32, #tpu.memory_space<hbm>>) target(%dma_start3A_386 : memref<1x64xf32, #tpu.memory_space<vmem>>) target_semaphore(%arg12 : memref<!tpu.dma_semaphore, #tpu.memory_space<semaphore_mem>>)
      %slice3A_389 = vector.extract_strided_slice %get3A_113 {offsets = [11], sizes = [1], strides = [1]} : vector<16xi32> to vector<1xi32>
      %squeeze3A_390 = vector.extract %slice3A_389[0] : i32 from vector<1xi32>
      %add3A_391 = arith.constant 11 : i32
      %add3A_392 = arith.addi %mul3A_115, %add3A_391 : i32
      %dma_start3A_393 = arith.constant 0 : i32
      %dma_start3A_394 = tpu.memref_slice %arg11[%add3A_392, %dma_start3A_393] : memref<256x64xf32, #tpu.memory_space<vmem>> -> memref<1x64xf32, #tpu.memory_space<vmem>>
      %dma_start3A_395 = arith.constant 0 : i32
      %dma_start3A_396 = tpu.memref_slice %arg5[%squeeze3A_390, %dma_start3A_395] : memref<100000x64xf32, #tpu.memory_space<hbm>> -> memref<1x64xf32, #tpu.memory_space<hbm>>
      %dma_start3A_397 = arith.constant 0 : i32
      %dma_start3A_398 = tpu.memref_slice %arg11[%add3A_392, %dma_start3A_397] : memref<256x64xf32, #tpu.memory_space<vmem>> -> memref<1x64xf32, #tpu.memory_space<vmem>>
      %dma_start3A_399 = arith.constant 0 : i32
      %dma_start3A_400 = tpu.memref_slice %arg5[%squeeze3A_390, %dma_start3A_399] : memref<100000x64xf32, #tpu.memory_space<hbm>> -> memref<1x64xf32, #tpu.memory_space<hbm>>
      tpu.enqueue_dma source(%dma_start3A_400 : memref<1x64xf32, #tpu.memory_space<hbm>>) target(%dma_start3A_398 : memref<1x64xf32, #tpu.memory_space<vmem>>) target_semaphore(%arg12 : memref<!tpu.dma_semaphore, #tpu.memory_space<semaphore_mem>>)
      %slice3A_401 = vector.extract_strided_slice %get3A_109 {offsets = [12], sizes = [1], strides = [1]} : vector<16xi32> to vector<1xi32>
      %squeeze3A_402 = vector.extract %slice3A_401[0] : i32 from vector<1xi32>
      %add3A_403 = arith.constant 12 : i32
      %add3A_404 = arith.addi %mul3A_115, %add3A_403 : i32
      %dma_start3A_405 = arith.constant 0 : i32
      %dma_start3A_406 = tpu.memref_slice %arg10[%add3A_404, %dma_start3A_405] : memref<256x64xf32, #tpu.memory_space<vmem>> -> memref<1x64xf32, #tpu.memory_space<vmem>>
      %dma_start3A_407 = arith.constant 0 : i32
      %dma_start3A_408 = tpu.memref_slice %arg4[%squeeze3A_402, %dma_start3A_407] : memref<1000000x64xf32, #tpu.memory_space<hbm>> -> memref<1x64xf32, #tpu.memory_space<hbm>>
      %dma_start3A_409 = arith.constant 0 : i32
      %dma_start3A_410 = tpu.memref_slice %arg10[%add3A_404, %dma_start3A_409] : memref<256x64xf32, #tpu.memory_space<vmem>> -> memref<1x64xf32, #tpu.memory_space<vmem>>
      %dma_start3A_411 = arith.constant 0 : i32
      %dma_start3A_412 = tpu.memref_slice %arg4[%squeeze3A_402, %dma_start3A_411] : memref<1000000x64xf32, #tpu.memory_space<hbm>> -> memref<1x64xf32, #tpu.memory_space<hbm>>
      tpu.enqueue_dma source(%dma_start3A_412 : memref<1x64xf32, #tpu.memory_space<hbm>>) target(%dma_start3A_410 : memref<1x64xf32, #tpu.memory_space<vmem>>) target_semaphore(%arg12 : memref<!tpu.dma_semaphore, #tpu.memory_space<semaphore_mem>>)
      %slice3A_413 = vector.extract_strided_slice %get3A_113 {offsets = [12], sizes = [1], strides = [1]} : vector<16xi32> to vector<1xi32>
      %squeeze3A_414 = vector.extract %slice3A_413[0] : i32 from vector<1xi32>
      %add3A_415 = arith.constant 12 : i32
      %add3A_416 = arith.addi %mul3A_115, %add3A_415 : i32
      %dma_start3A_417 = arith.constant 0 : i32
      %dma_start3A_418 = tpu.memref_slice %arg11[%add3A_416, %dma_start3A_417] : memref<256x64xf32, #tpu.memory_space<vmem>> -> memref<1x64xf32, #tpu.memory_space<vmem>>
      %dma_start3A_419 = arith.constant 0 : i32
      %dma_start3A_420 = tpu.memref_slice %arg5[%squeeze3A_414, %dma_start3A_419] : memref<100000x64xf32, #tpu.memory_space<hbm>> -> memref<1x64xf32, #tpu.memory_space<hbm>>
      %dma_start3A_421 = arith.constant 0 : i32
      %dma_start3A_422 = tpu.memref_slice %arg11[%add3A_416, %dma_start3A_421] : memref<256x64xf32, #tpu.memory_space<vmem>> -> memref<1x64xf32, #tpu.memory_space<vmem>>
      %dma_start3A_423 = arith.constant 0 : i32
      %dma_start3A_424 = tpu.memref_slice %arg5[%squeeze3A_414, %dma_start3A_423] : memref<100000x64xf32, #tpu.memory_space<hbm>> -> memref<1x64xf32, #tpu.memory_space<hbm>>
      tpu.enqueue_dma source(%dma_start3A_424 : memref<1x64xf32, #tpu.memory_space<hbm>>) target(%dma_start3A_422 : memref<1x64xf32, #tpu.memory_space<vmem>>) target_semaphore(%arg12 : memref<!tpu.dma_semaphore, #tpu.memory_space<semaphore_mem>>)
      %slice3A_425 = vector.extract_strided_slice %get3A_109 {offsets = [13], sizes = [1], strides = [1]} : vector<16xi32> to vector<1xi32>
      %squeeze3A_426 = vector.extract %slice3A_425[0] : i32 from vector<1xi32>
      %add3A_427 = arith.constant 13 : i32
      %add3A_428 = arith.addi %mul3A_115, %add3A_427 : i32
      %dma_start3A_429 = arith.constant 0 : i32
      %dma_start3A_430 = tpu.memref_slice %arg10[%add3A_428, %dma_start3A_429] : memref<256x64xf32, #tpu.memory_space<vmem>> -> memref<1x64xf32, #tpu.memory_space<vmem>>
      %dma_start3A_431 = arith.constant 0 : i32
      %dma_start3A_432 = tpu.memref_slice %arg4[%squeeze3A_426, %dma_start3A_431] : memref<1000000x64xf32, #tpu.memory_space<hbm>> -> memref<1x64xf32, #tpu.memory_space<hbm>>
      %dma_start3A_433 = arith.constant 0 : i32
      %dma_start3A_434 = tpu.memref_slice %arg10[%add3A_428, %dma_start3A_433] : memref<256x64xf32, #tpu.memory_space<vmem>> -> memref<1x64xf32, #tpu.memory_space<vmem>>
      %dma_start3A_435 = arith.constant 0 : i32
      %dma_start3A_436 = tpu.memref_slice %arg4[%squeeze3A_426, %dma_start3A_435] : memref<1000000x64xf32, #tpu.memory_space<hbm>> -> memref<1x64xf32, #tpu.memory_space<hbm>>
      tpu.enqueue_dma source(%dma_start3A_436 : memref<1x64xf32, #tpu.memory_space<hbm>>) target(%dma_start3A_434 : memref<1x64xf32, #tpu.memory_space<vmem>>) target_semaphore(%arg12 : memref<!tpu.dma_semaphore, #tpu.memory_space<semaphore_mem>>)
      %slice3A_437 = vector.extract_strided_slice %get3A_113 {offsets = [13], sizes = [1], strides = [1]} : vector<16xi32> to vector<1xi32>
      %squeeze3A_438 = vector.extract %slice3A_437[0] : i32 from vector<1xi32>
      %add3A_439 = arith.constant 13 : i32
      %add3A_440 = arith.addi %mul3A_115, %add3A_439 : i32
      %dma_start3A_441 = arith.constant 0 : i32
      %dma_start3A_442 = tpu.memref_slice %arg11[%add3A_440, %dma_start3A_441] : memref<256x64xf32, #tpu.memory_space<vmem>> -> memref<1x64xf32, #tpu.memory_space<vmem>>
      %dma_start3A_443 = arith.constant 0 : i32
      %dma_start3A_444 = tpu.memref_slice %arg5[%squeeze3A_438, %dma_start3A_443] : memref<100000x64xf32, #tpu.memory_space<hbm>> -> memref<1x64xf32, #tpu.memory_space<hbm>>
      %dma_start3A_445 = arith.constant 0 : i32
      %dma_start3A_446 = tpu.memref_slice %arg11[%add3A_440, %dma_start3A_445] : memref<256x64xf32, #tpu.memory_space<vmem>> -> memref<1x64xf32, #tpu.memory_space<vmem>>
      %dma_start3A_447 = arith.constant 0 : i32
      %dma_start3A_448 = tpu.memref_slice %arg5[%squeeze3A_438, %dma_start3A_447] : memref<100000x64xf32, #tpu.memory_space<hbm>> -> memref<1x64xf32, #tpu.memory_space<hbm>>
      tpu.enqueue_dma source(%dma_start3A_448 : memref<1x64xf32, #tpu.memory_space<hbm>>) target(%dma_start3A_446 : memref<1x64xf32, #tpu.memory_space<vmem>>) target_semaphore(%arg12 : memref<!tpu.dma_semaphore, #tpu.memory_space<semaphore_mem>>)
      %slice3A_449 = vector.extract_strided_slice %get3A_109 {offsets = [14], sizes = [1], strides = [1]} : vector<16xi32> to vector<1xi32>
      %squeeze3A_450 = vector.extract %slice3A_449[0] : i32 from vector<1xi32>
      %add3A_451 = arith.constant 14 : i32
      %add3A_452 = arith.addi %mul3A_115, %add3A_451 : i32
      %dma_start3A_453 = arith.constant 0 : i32
      %dma_start3A_454 = tpu.memref_slice %arg10[%add3A_452, %dma_start3A_453] : memref<256x64xf32, #tpu.memory_space<vmem>> -> memref<1x64xf32, #tpu.memory_space<vmem>>
      %dma_start3A_455 = arith.constant 0 : i32
      %dma_start3A_456 = tpu.memref_slice %arg4[%squeeze3A_450, %dma_start3A_455] : memref<1000000x64xf32, #tpu.memory_space<hbm>> -> memref<1x64xf32, #tpu.memory_space<hbm>>
      %dma_start3A_457 = arith.constant 0 : i32
      %dma_start3A_458 = tpu.memref_slice %arg10[%add3A_452, %dma_start3A_457] : memref<256x64xf32, #tpu.memory_space<vmem>> -> memref<1x64xf32, #tpu.memory_space<vmem>>
      %dma_start3A_459 = arith.constant 0 : i32
      %dma_start3A_460 = tpu.memref_slice %arg4[%squeeze3A_450, %dma_start3A_459] : memref<1000000x64xf32, #tpu.memory_space<hbm>> -> memref<1x64xf32, #tpu.memory_space<hbm>>
      tpu.enqueue_dma source(%dma_start3A_460 : memref<1x64xf32, #tpu.memory_space<hbm>>) target(%dma_start3A_458 : memref<1x64xf32, #tpu.memory_space<vmem>>) target_semaphore(%arg12 : memref<!tpu.dma_semaphore, #tpu.memory_space<semaphore_mem>>)
      %slice3A_461 = vector.extract_strided_slice %get3A_113 {offsets = [14], sizes = [1], strides = [1]} : vector<16xi32> to vector<1xi32>
      %squeeze3A_462 = vector.extract %slice3A_461[0] : i32 from vector<1xi32>
      %add3A_463 = arith.constant 14 : i32
      %add3A_464 = arith.addi %mul3A_115, %add3A_463 : i32
      %dma_start3A_465 = arith.constant 0 : i32
      %dma_start3A_466 = tpu.memref_slice %arg11[%add3A_464, %dma_start3A_465] : memref<256x64xf32, #tpu.memory_space<vmem>> -> memref<1x64xf32, #tpu.memory_space<vmem>>
      %dma_start3A_467 = arith.constant 0 : i32
      %dma_start3A_468 = tpu.memref_slice %arg5[%squeeze3A_462, %dma_start3A_467] : memref<100000x64xf32, #tpu.memory_space<hbm>> -> memref<1x64xf32, #tpu.memory_space<hbm>>
      %dma_start3A_469 = arith.constant 0 : i32
      %dma_start3A_470 = tpu.memref_slice %arg11[%add3A_464, %dma_start3A_469] : memref<256x64xf32, #tpu.memory_space<vmem>> -> memref<1x64xf32, #tpu.memory_space<vmem>>
      %dma_start3A_471 = arith.constant 0 : i32
      %dma_start3A_472 = tpu.memref_slice %arg5[%squeeze3A_462, %dma_start3A_471] : memref<100000x64xf32, #tpu.memory_space<hbm>> -> memref<1x64xf32, #tpu.memory_space<hbm>>
      tpu.enqueue_dma source(%dma_start3A_472 : memref<1x64xf32, #tpu.memory_space<hbm>>) target(%dma_start3A_470 : memref<1x64xf32, #tpu.memory_space<vmem>>) target_semaphore(%arg12 : memref<!tpu.dma_semaphore, #tpu.memory_space<semaphore_mem>>)
      %slice3A_473 = vector.extract_strided_slice %get3A_109 {offsets = [15], sizes = [1], strides = [1]} : vector<16xi32> to vector<1xi32>
      %squeeze3A_474 = vector.extract %slice3A_473[0] : i32 from vector<1xi32>
      %add3A_475 = arith.constant 15 : i32
      %add3A_476 = arith.addi %mul3A_115, %add3A_475 : i32
      %dma_start3A_477 = arith.constant 0 : i32
      %dma_start3A_478 = tpu.memref_slice %arg10[%add3A_476, %dma_start3A_477] : memref<256x64xf32, #tpu.memory_space<vmem>> -> memref<1x64xf32, #tpu.memory_space<vmem>>
      %dma_start3A_479 = arith.constant 0 : i32
      %dma_start3A_480 = tpu.memref_slice %arg4[%squeeze3A_474, %dma_start3A_479] : memref<1000000x64xf32, #tpu.memory_space<hbm>> -> memref<1x64xf32, #tpu.memory_space<hbm>>
      %dma_start3A_481 = arith.constant 0 : i32
      %dma_start3A_482 = tpu.memref_slice %arg10[%add3A_476, %dma_start3A_481] : memref<256x64xf32, #tpu.memory_space<vmem>> -> memref<1x64xf32, #tpu.memory_space<vmem>>
      %dma_start3A_483 = arith.constant 0 : i32
      %dma_start3A_484 = tpu.memref_slice %arg4[%squeeze3A_474, %dma_start3A_483] : memref<1000000x64xf32, #tpu.memory_space<hbm>> -> memref<1x64xf32, #tpu.memory_space<hbm>>
      tpu.enqueue_dma source(%dma_start3A_484 : memref<1x64xf32, #tpu.memory_space<hbm>>) target(%dma_start3A_482 : memref<1x64xf32, #tpu.memory_space<vmem>>) target_semaphore(%arg12 : memref<!tpu.dma_semaphore, #tpu.memory_space<semaphore_mem>>)
      %slice3A_485 = vector.extract_strided_slice %get3A_113 {offsets = [15], sizes = [1], strides = [1]} : vector<16xi32> to vector<1xi32>
      %squeeze3A_486 = vector.extract %slice3A_485[0] : i32 from vector<1xi32>
      %add3A_487 = arith.constant 15 : i32
      %add3A_488 = arith.addi %mul3A_115, %add3A_487 : i32
      %dma_start3A_489 = arith.constant 0 : i32
      %dma_start3A_490 = tpu.memref_slice %arg11[%add3A_488, %dma_start3A_489] : memref<256x64xf32, #tpu.memory_space<vmem>> -> memref<1x64xf32, #tpu.memory_space<vmem>>
      %dma_start3A_491 = arith.constant 0 : i32
      %dma_start3A_492 = tpu.memref_slice %arg5[%squeeze3A_486, %dma_start3A_491] : memref<100000x64xf32, #tpu.memory_space<hbm>> -> memref<1x64xf32, #tpu.memory_space<hbm>>
      %dma_start3A_493 = arith.constant 0 : i32
      %dma_start3A_494 = tpu.memref_slice %arg11[%add3A_488, %dma_start3A_493] : memref<256x64xf32, #tpu.memory_space<vmem>> -> memref<1x64xf32, #tpu.memory_space<vmem>>
      %dma_start3A_495 = arith.constant 0 : i32
      %dma_start3A_496 = tpu.memref_slice %arg5[%squeeze3A_486, %dma_start3A_495] : memref<100000x64xf32, #tpu.memory_space<hbm>> -> memref<1x64xf32, #tpu.memory_space<hbm>>
      tpu.enqueue_dma source(%dma_start3A_496 : memref<1x64xf32, #tpu.memory_space<hbm>>) target(%dma_start3A_494 : memref<1x64xf32, #tpu.memory_space<vmem>>) target_semaphore(%arg12 : memref<!tpu.dma_semaphore, #tpu.memory_space<semaphore_mem>>)
      %gt3A = arith.constant 0 : i32
      %gt3A_497 = arith.cmpi sgt, %scan3A_71, %gt3A : i32
      %convert_element_type3A = arith.extui %gt3A_497 : i1 to i32
      %cond3A = arith.constant 0 : i32
      %cond3A_498 = arith.cmpi ne, %convert_element_type3A, %cond3A : i32
      scf.if %cond3A_498 {
        %sub3A_500 = arith.constant 16 : i32
        %sub3A_501 = arith.subi %mul3A_115, %sub3A_500 : i32
        %dma_wait3A_502 = arith.constant 0 : i32
        %dma_wait3A_503 = tpu.memref_slice %arg10[%sub3A_501, %dma_wait3A_502] : memref<256x64xf32, #tpu.memory_space<vmem>> -> memref<16x64xf32, #tpu.memory_space<vmem>>
        %dma_wait3A_504 = arith.constant 0 : i32
        %dma_wait3A_505 = arith.constant 0 : i32
        %dma_wait3A_506 = tpu.memref_slice %arg4[%dma_wait3A_504, %dma_wait3A_505] : memref<1000000x64xf32, #tpu.memory_space<hbm>> -> memref<16x64xf32, #tpu.memory_space<hbm>>
        %dma_wait3A_507 = arith.constant 0 : i32
        %dma_wait3A_508 = tpu.memref_slice %arg10[%sub3A_501, %dma_wait3A_507] : memref<256x64xf32, #tpu.memory_space<vmem>> -> memref<16x64xf32, #tpu.memory_space<vmem>>
        %dma_wait3A_509 = arith.constant 0 : i32
        %dma_wait3A_510 = arith.constant 0 : i32
        %dma_wait3A_511 = tpu.memref_slice %arg4[%dma_wait3A_509, %dma_wait3A_510] : memref<1000000x64xf32, #tpu.memory_space<hbm>> -> memref<16x64xf32, #tpu.memory_space<hbm>>
        tpu.wait_dma2 semaphore(%arg12 : memref<!tpu.dma_semaphore, #tpu.memory_space<semaphore_mem>>) src(%dma_wait3A_511 : memref<16x64xf32, #tpu.memory_space<hbm>>) dst(%dma_wait3A_508 : memref<16x64xf32, #tpu.memory_space<vmem>>)
        %sub3A_512 = arith.constant 16 : i32
        %sub3A_513 = arith.subi %mul3A_115, %sub3A_512 : i32
        %dma_wait3A_514 = arith.constant 0 : i32
        %dma_wait3A_515 = tpu.memref_slice %arg11[%sub3A_513, %dma_wait3A_514] : memref<256x64xf32, #tpu.memory_space<vmem>> -> memref<16x64xf32, #tpu.memory_space<vmem>>
        %dma_wait3A_516 = arith.constant 0 : i32
        %dma_wait3A_517 = arith.constant 0 : i32
        %dma_wait3A_518 = tpu.memref_slice %arg5[%dma_wait3A_516, %dma_wait3A_517] : memref<100000x64xf32, #tpu.memory_space<hbm>> -> memref<16x64xf32, #tpu.memory_space<hbm>>
        %dma_wait3A_519 = arith.constant 0 : i32
        %dma_wait3A_520 = tpu.memref_slice %arg11[%sub3A_513, %dma_wait3A_519] : memref<256x64xf32, #tpu.memory_space<vmem>> -> memref<16x64xf32, #tpu.memory_space<vmem>>
        %dma_wait3A_521 = arith.constant 0 : i32
        %dma_wait3A_522 = arith.constant 0 : i32
        %dma_wait3A_523 = tpu.memref_slice %arg5[%dma_wait3A_521, %dma_wait3A_522] : memref<100000x64xf32, #tpu.memory_space<hbm>> -> memref<16x64xf32, #tpu.memory_space<hbm>>
        tpu.wait_dma2 semaphore(%arg12 : memref<!tpu.dma_semaphore, #tpu.memory_space<semaphore_mem>>) src(%dma_wait3A_523 : memref<16x64xf32, #tpu.memory_space<hbm>>) dst(%dma_wait3A_520 : memref<16x64xf32, #tpu.memory_space<vmem>>)
      } else {
      }
      %scan3A_499 = arith.constant 0 : i32
      scf.yield %scan3A_499 : i32
    }
    %scan3A_8 = arith.constant 16 : i32
    %dma_wait3A = arith.constant 240 : i32
    %dma_wait3A_9 = arith.constant 0 : i32
    %dma_wait3A_10 = tpu.memref_slice %arg10[%dma_wait3A, %dma_wait3A_9] : memref<256x64xf32, #tpu.memory_space<vmem>> -> memref<16x64xf32, #tpu.memory_space<vmem>>
    %dma_wait3A_11 = arith.constant 0 : i32
    %dma_wait3A_12 = arith.constant 0 : i32
    %dma_wait3A_13 = tpu.memref_slice %arg4[%dma_wait3A_11, %dma_wait3A_12] : memref<1000000x64xf32, #tpu.memory_space<hbm>> -> memref<16x64xf32, #tpu.memory_space<hbm>>
    %dma_wait3A_14 = arith.constant 240 : i32
    %dma_wait3A_15 = arith.constant 0 : i32
    %dma_wait3A_16 = tpu.memref_slice %arg10[%dma_wait3A_14, %dma_wait3A_15] : memref<256x64xf32, #tpu.memory_space<vmem>> -> memref<16x64xf32, #tpu.memory_space<vmem>>
    %dma_wait3A_17 = arith.constant 0 : i32
    %dma_wait3A_18 = arith.constant 0 : i32
    %dma_wait3A_19 = tpu.memref_slice %arg4[%dma_wait3A_17, %dma_wait3A_18] : memref<1000000x64xf32, #tpu.memory_space<hbm>> -> memref<16x64xf32, #tpu.memory_space<hbm>>
    tpu.wait_dma2 semaphore(%arg12 : memref<!tpu.dma_semaphore, #tpu.memory_space<semaphore_mem>>) src(%dma_wait3A_19 : memref<16x64xf32, #tpu.memory_space<hbm>>) dst(%dma_wait3A_16 : memref<16x64xf32, #tpu.memory_space<vmem>>)
    %dma_wait3A_20 = arith.constant 240 : i32
    %dma_wait3A_21 = arith.constant 0 : i32
    %dma_wait3A_22 = tpu.memref_slice %arg11[%dma_wait3A_20, %dma_wait3A_21] : memref<256x64xf32, #tpu.memory_space<vmem>> -> memref<16x64xf32, #tpu.memory_space<vmem>>
    %dma_wait3A_23 = arith.constant 0 : i32
    %dma_wait3A_24 = arith.constant 0 : i32
    %dma_wait3A_25 = tpu.memref_slice %arg5[%dma_wait3A_23, %dma_wait3A_24] : memref<100000x64xf32, #tpu.memory_space<hbm>> -> memref<16x64xf32, #tpu.memory_space<hbm>>
    %dma_wait3A_26 = arith.constant 240 : i32
    %dma_wait3A_27 = arith.constant 0 : i32
    %dma_wait3A_28 = tpu.memref_slice %arg11[%dma_wait3A_26, %dma_wait3A_27] : memref<256x64xf32, #tpu.memory_space<vmem>> -> memref<16x64xf32, #tpu.memory_space<vmem>>
    %dma_wait3A_29 = arith.constant 0 : i32
    %dma_wait3A_30 = arith.constant 0 : i32
    %dma_wait3A_31 = tpu.memref_slice %arg5[%dma_wait3A_29, %dma_wait3A_30] : memref<100000x64xf32, #tpu.memory_space<hbm>> -> memref<16x64xf32, #tpu.memory_space<hbm>>
    tpu.wait_dma2 semaphore(%arg12 : memref<!tpu.dma_semaphore, #tpu.memory_space<semaphore_mem>>) src(%dma_wait3A_31 : memref<16x64xf32, #tpu.memory_space<hbm>>) dst(%dma_wait3A_28 : memref<16x64xf32, #tpu.memory_space<vmem>>)
    %mul3A_32 = arith.constant 512 : i32
    %mul3A_33 = arith.muli %add3A, %mul3A_32 : i32
    %add3A_34 = arith.constant 0 : i32
    %add3A_35 = arith.addi %mul3A_33, %add3A_34 : i32
    "tpu.region"() ({
      %run_scoped3A = tpu.sem_alloc : memref<!tpu.dma_semaphore, #tpu.memory_space<semaphore_mem>>
      %dma_start3A = arith.constant 0 : i32
      %dma_start3A_71 = tpu.memref_slice %arg6[%add3A_35, %dma_start3A] : memref<16384x64xf32, #tpu.memory_space<hbm>> -> memref<256x64xf32, #tpu.memory_space<hbm>>
      %dma_start3A_72 = arith.constant 0 : i32
      %dma_start3A_73 = tpu.memref_slice %arg6[%add3A_35, %dma_start3A_72] : memref<16384x64xf32, #tpu.memory_space<hbm>> -> memref<256x64xf32, #tpu.memory_space<hbm>>
      tpu.enqueue_dma source(%arg10 : memref<256x64xf32, #tpu.memory_space<vmem>>) target(%dma_start3A_73 : memref<256x64xf32, #tpu.memory_space<hbm>>) target_semaphore(%run_scoped3A : memref<!tpu.dma_semaphore, #tpu.memory_space<semaphore_mem>>)
      %dma_wait3A_74 = arith.constant 0 : i32
      %dma_wait3A_75 = tpu.memref_slice %arg6[%add3A_35, %dma_wait3A_74] : memref<16384x64xf32, #tpu.memory_space<hbm>> -> memref<256x64xf32, #tpu.memory_space<hbm>>
      %dma_wait3A_76 = arith.constant 0 : i32
      %dma_wait3A_77 = tpu.memref_slice %arg6[%add3A_35, %dma_wait3A_76] : memref<16384x64xf32, #tpu.memory_space<hbm>> -> memref<256x64xf32, #tpu.memory_space<hbm>>
      tpu.wait_dma2 semaphore(%run_scoped3A : memref<!tpu.dma_semaphore, #tpu.memory_space<semaphore_mem>>) src(%arg10 : memref<256x64xf32, #tpu.memory_space<vmem>>) dst(%dma_wait3A_77 : memref<256x64xf32, #tpu.memory_space<hbm>>)
      tpu.yield
    }) : () -> ()
    "tpu.region"() ({
      %run_scoped3A = tpu.sem_alloc : memref<!tpu.dma_semaphore, #tpu.memory_space<semaphore_mem>>
      %dma_start3A = arith.constant 0 : i32
      %dma_start3A_71 = tpu.memref_slice %arg7[%add3A_35, %dma_start3A] : memref<16384x64xf32, #tpu.memory_space<hbm>> -> memref<256x64xf32, #tpu.memory_space<hbm>>
      %dma_start3A_72 = arith.constant 0 : i32
      %dma_start3A_73 = tpu.memref_slice %arg7[%add3A_35, %dma_start3A_72] : memref<16384x64xf32, #tpu.memory_space<hbm>> -> memref<256x64xf32, #tpu.memory_space<hbm>>
      tpu.enqueue_dma source(%arg11 : memref<256x64xf32, #tpu.memory_space<vmem>>) target(%dma_start3A_73 : memref<256x64xf32, #tpu.memory_space<hbm>>) target_semaphore(%run_scoped3A : memref<!tpu.dma_semaphore, #tpu.memory_space<semaphore_mem>>)
      %dma_wait3A_74 = arith.constant 0 : i32
      %dma_wait3A_75 = tpu.memref_slice %arg7[%add3A_35, %dma_wait3A_74] : memref<16384x64xf32, #tpu.memory_space<hbm>> -> memref<256x64xf32, #tpu.memory_space<hbm>>
      %dma_wait3A_76 = arith.constant 0 : i32
      %dma_wait3A_77 = tpu.memref_slice %arg7[%add3A_35, %dma_wait3A_76] : memref<16384x64xf32, #tpu.memory_space<hbm>> -> memref<256x64xf32, #tpu.memory_space<hbm>>
      tpu.wait_dma2 semaphore(%run_scoped3A : memref<!tpu.dma_semaphore, #tpu.memory_space<semaphore_mem>>) src(%arg11 : memref<256x64xf32, #tpu.memory_space<vmem>>) dst(%dma_wait3A_77 : memref<256x64xf32, #tpu.memory_space<hbm>>)
      tpu.yield
    }) : () -> ()
    %scan3A_36 = arith.constant 0 : i32
    %scan3A_37 = arith.constant 0 : i32
    %scan3A_38 = arith.constant 16 : i32
    %scan3A_39 = arith.addi %scan3A_37, %scan3A_38 : i32
    %scan3A_40 = arith.constant 1 : i32
    %scan3A_41 = scf.for %scan3A_71 = %scan3A_37 to %scan3A_39 step %scan3A_40 iter_args(%scan3A_72 = %scan3A_36) -> (i32)  : i32 {
      %add3A_73 = arith.constant 16 : i32
      %add3A_74 = arith.addi %add3A_73, %scan3A_71 : i32
      %jit3A = arith.constant 8 : i32
      %div3A = arith.divsi %add3A_74, %jit3A : i32
      %sign3A = arith.constant 0 : i32
      %sign3A_75 = arith.cmpi sgt, %add3A_74, %sign3A : i32
      %sign3A_76 = arith.extui %sign3A_75 : i1 to i32
      %sign3A_77 = arith.constant 0 : i32
      %sign3A_78 = arith.cmpi slt, %add3A_74, %sign3A_77 : i32
      %sign3A_79 = arith.extui %sign3A_78 : i1 to i32
      %sign3A_80 = arith.subi %sign3A_76, %sign3A_79 : i32
      %sign3A_81 = arith.constant 0 : i32
      %sign3A_82 = arith.cmpi sgt, %jit3A, %sign3A_81 : i32
      %sign3A_83 = arith.extui %sign3A_82 : i1 to i32
      %sign3A_84 = arith.constant 0 : i32
      %sign3A_85 = arith.cmpi slt, %jit3A, %sign3A_84 : i32
      %sign3A_86 = arith.extui %sign3A_85 : i1 to i32
      %sign3A_87 = arith.subi %sign3A_83, %sign3A_86 : i32
      %ne3A = arith.cmpi ne, %sign3A_80, %sign3A_87 : i32
      %rem3A = arith.remsi %add3A_74, %jit3A : i32
      %ne3A_88 = arith.constant 0 : i32
      %ne3A_89 = arith.cmpi ne, %rem3A, %ne3A_88 : i32
      %and3A = arith.andi %ne3A, %ne3A_89 : i1
      %sub3A = arith.constant 1 : i32
      %sub3A_90 = arith.subi %div3A, %sub3A : i32
      %select_n3A = arith.select %and3A, %sub3A_90, %div3A : i32
      %jit3A_91 = arith.constant 8 : i32
      %eq3A = arith.constant 0 : i32
      %eq3A_92 = arith.cmpi eq, %jit3A_91, %eq3A : i32
      %jit3A_93 = arith.constant 1 : i32
      %select_n3A_94 = arith.select %eq3A_92, %jit3A_93, %jit3A_91 : i32
      %rem3A_95 = arith.remsi %add3A_74, %select_n3A_94 : i32
      %ne3A_96 = arith.constant 0 : i32
      %ne3A_97 = arith.cmpi ne, %rem3A_95, %ne3A_96 : i32
      %lt3A = arith.constant 0 : i32
      %lt3A_98 = arith.cmpi slt, %rem3A_95, %lt3A : i32
      %lt3A_99 = arith.constant 0 : i32
      %lt3A_100 = arith.cmpi slt, %select_n3A_94, %lt3A_99 : i32
      %ne3A_101 = arith.xori %lt3A_98, %lt3A_100 : i1
      %and3A_102 = arith.andi %ne3A_101, %ne3A_97 : i1
      %add3A_103 = arith.addi %rem3A_95, %select_n3A_94 : i32
      %select_n3A_104 = arith.select %and3A_102, %add3A_103, %rem3A_95 : i32
      %mul3A_105 = arith.constant 16 : i32
      %mul3A_106 = arith.muli %select_n3A_104, %mul3A_105 : i32
      %get3A = arith.index_cast %select_n3A : i32 to index
      %get3A_107 = arith.index_cast %mul3A_106 : i32 to index
      %get3A_108 = tpu.vector_load %arg8[%get3A, %get3A_107] {strides = array<i32>} : memref<4x128xi32, #tpu.memory_space<vmem>>, vector<1x16xi32>,
      %get3A_109 = vector.shape_cast %get3A_108 : vector<1x16xi32> to vector<16xi32>
      %get3A_110 = arith.index_cast %select_n3A : i32 to index
      %get3A_111 = arith.index_cast %mul3A_106 : i32 to index
      %get3A_112 = tpu.vector_load %arg9[%get3A_110, %get3A_111] {strides = array<i32>} : memref<4x128xi32, #tpu.memory_space<vmem>>, vector<1x16xi32>,
      %get3A_113 = vector.shape_cast %get3A_112 : vector<1x16xi32> to vector<16xi32>
      %mul3A_114 = arith.constant 16 : i32
      %mul3A_115 = arith.muli %scan3A_71, %mul3A_114 : i32
      %slice3A = vector.extract_strided_slice %get3A_109 {offsets = [0], sizes = [1], strides = [1]} : vector<16xi32> to vector<1xi32>
      %squeeze3A = vector.extract %slice3A[0] : i32 from vector<1xi32>
      %add3A_116 = arith.constant 0 : i32
      %add3A_117 = arith.addi %mul3A_115, %add3A_116 : i32
      %dma_start3A = arith.constant 0 : i32
      %dma_start3A_118 = tpu.memref_slice %arg10[%add3A_117, %dma_start3A] : memref<256x64xf32, #tpu.memory_space<vmem>> -> memref<1x64xf32, #tpu.memory_space<vmem>>
      %dma_start3A_119 = arith.constant 0 : i32
      %dma_start3A_120 = tpu.memref_slice %arg4[%squeeze3A, %dma_start3A_119] : memref<1000000x64xf32, #tpu.memory_space<hbm>> -> memref<1x64xf32, #tpu.memory_space<hbm>>
      %dma_start3A_121 = arith.constant 0 : i32
      %dma_start3A_122 = tpu.memref_slice %arg10[%add3A_117, %dma_start3A_121] : memref<256x64xf32, #tpu.memory_space<vmem>> -> memref<1x64xf32, #tpu.memory_space<vmem>>
      %dma_start3A_123 = arith.constant 0 : i32
      %dma_start3A_124 = tpu.memref_slice %arg4[%squeeze3A, %dma_start3A_123] : memref<1000000x64xf32, #tpu.memory_space<hbm>> -> memref<1x64xf32, #tpu.memory_space<hbm>>
      tpu.enqueue_dma source(%dma_start3A_124 : memref<1x64xf32, #tpu.memory_space<hbm>>) target(%dma_start3A_122 : memref<1x64xf32, #tpu.memory_space<vmem>>) target_semaphore(%arg12 : memref<!tpu.dma_semaphore, #tpu.memory_space<semaphore_mem>>)
      %slice3A_125 = vector.extract_strided_slice %get3A_113 {offsets = [0], sizes = [1], strides = [1]} : vector<16xi32> to vector<1xi32>
      %squeeze3A_126 = vector.extract %slice3A_125[0] : i32 from vector<1xi32>
      %add3A_127 = arith.constant 0 : i32
      %add3A_128 = arith.addi %mul3A_115, %add3A_127 : i32
      %dma_start3A_129 = arith.constant 0 : i32
      %dma_start3A_130 = tpu.memref_slice %arg11[%add3A_128, %dma_start3A_129] : memref<256x64xf32, #tpu.memory_space<vmem>> -> memref<1x64xf32, #tpu.memory_space<vmem>>
      %dma_start3A_131 = arith.constant 0 : i32
      %dma_start3A_132 = tpu.memref_slice %arg5[%squeeze3A_126, %dma_start3A_131] : memref<100000x64xf32, #tpu.memory_space<hbm>> -> memref<1x64xf32, #tpu.memory_space<hbm>>
      %dma_start3A_133 = arith.constant 0 : i32
      %dma_start3A_134 = tpu.memref_slice %arg11[%add3A_128, %dma_start3A_133] : memref<256x64xf32, #tpu.memory_space<vmem>> -> memref<1x64xf32, #tpu.memory_space<vmem>>
      %dma_start3A_135 = arith.constant 0 : i32
      %dma_start3A_136 = tpu.memref_slice %arg5[%squeeze3A_126, %dma_start3A_135] : memref<100000x64xf32, #tpu.memory_space<hbm>> -> memref<1x64xf32, #tpu.memory_space<hbm>>
      tpu.enqueue_dma source(%dma_start3A_136 : memref<1x64xf32, #tpu.memory_space<hbm>>) target(%dma_start3A_134 : memref<1x64xf32, #tpu.memory_space<vmem>>) target_semaphore(%arg12 : memref<!tpu.dma_semaphore, #tpu.memory_space<semaphore_mem>>)
      %slice3A_137 = vector.extract_strided_slice %get3A_109 {offsets = [1], sizes = [1], strides = [1]} : vector<16xi32> to vector<1xi32>
      %squeeze3A_138 = vector.extract %slice3A_137[0] : i32 from vector<1xi32>
      %add3A_139 = arith.constant 1 : i32
      %add3A_140 = arith.addi %mul3A_115, %add3A_139 : i32
      %dma_start3A_141 = arith.constant 0 : i32
      %dma_start3A_142 = tpu.memref_slice %arg10[%add3A_140, %dma_start3A_141] : memref<256x64xf32, #tpu.memory_space<vmem>> -> memref<1x64xf32, #tpu.memory_space<vmem>>
      %dma_start3A_143 = arith.constant 0 : i32
      %dma_start3A_144 = tpu.memref_slice %arg4[%squeeze3A_138, %dma_start3A_143] : memref<1000000x64xf32, #tpu.memory_space<hbm>> -> memref<1x64xf32, #tpu.memory_space<hbm>>
      %dma_start3A_145 = arith.constant 0 : i32
      %dma_start3A_146 = tpu.memref_slice %arg10[%add3A_140, %dma_start3A_145] : memref<256x64xf32, #tpu.memory_space<vmem>> -> memref<1x64xf32, #tpu.memory_space<vmem>>
      %dma_start3A_147 = arith.constant 0 : i32
      %dma_start3A_148 = tpu.memref_slice %arg4[%squeeze3A_138, %dma_start3A_147] : memref<1000000x64xf32, #tpu.memory_space<hbm>> -> memref<1x64xf32, #tpu.memory_space<hbm>>
      tpu.enqueue_dma source(%dma_start3A_148 : memref<1x64xf32, #tpu.memory_space<hbm>>) target(%dma_start3A_146 : memref<1x64xf32, #tpu.memory_space<vmem>>) target_semaphore(%arg12 : memref<!tpu.dma_semaphore, #tpu.memory_space<semaphore_mem>>)
      %slice3A_149 = vector.extract_strided_slice %get3A_113 {offsets = [1], sizes = [1], strides = [1]} : vector<16xi32> to vector<1xi32>
      %squeeze3A_150 = vector.extract %slice3A_149[0] : i32 from vector<1xi32>
      %add3A_151 = arith.constant 1 : i32
      %add3A_152 = arith.addi %mul3A_115, %add3A_151 : i32
      %dma_start3A_153 = arith.constant 0 : i32
      %dma_start3A_154 = tpu.memref_slice %arg11[%add3A_152, %dma_start3A_153] : memref<256x64xf32, #tpu.memory_space<vmem>> -> memref<1x64xf32, #tpu.memory_space<vmem>>
      %dma_start3A_155 = arith.constant 0 : i32
      %dma_start3A_156 = tpu.memref_slice %arg5[%squeeze3A_150, %dma_start3A_155] : memref<100000x64xf32, #tpu.memory_space<hbm>> -> memref<1x64xf32, #tpu.memory_space<hbm>>
      %dma_start3A_157 = arith.constant 0 : i32
      %dma_start3A_158 = tpu.memref_slice %arg11[%add3A_152, %dma_start3A_157] : memref<256x64xf32, #tpu.memory_space<vmem>> -> memref<1x64xf32, #tpu.memory_space<vmem>>
      %dma_start3A_159 = arith.constant 0 : i32
      %dma_start3A_160 = tpu.memref_slice %arg5[%squeeze3A_150, %dma_start3A_159] : memref<100000x64xf32, #tpu.memory_space<hbm>> -> memref<1x64xf32, #tpu.memory_space<hbm>>
      tpu.enqueue_dma source(%dma_start3A_160 : memref<1x64xf32, #tpu.memory_space<hbm>>) target(%dma_start3A_158 : memref<1x64xf32, #tpu.memory_space<vmem>>) target_semaphore(%arg12 : memref<!tpu.dma_semaphore, #tpu.memory_space<semaphore_mem>>)
      %slice3A_161 = vector.extract_strided_slice %get3A_109 {offsets = [2], sizes = [1], strides = [1]} : vector<16xi32> to vector<1xi32>
      %squeeze3A_162 = vector.extract %slice3A_161[0] : i32 from vector<1xi32>
      %add3A_163 = arith.constant 2 : i32
      %add3A_164 = arith.addi %mul3A_115, %add3A_163 : i32
      %dma_start3A_165 = arith.constant 0 : i32
      %dma_start3A_166 = tpu.memref_slice %arg10[%add3A_164, %dma_start3A_165] : memref<256x64xf32, #tpu.memory_space<vmem>> -> memref<1x64xf32, #tpu.memory_space<vmem>>
      %dma_start3A_167 = arith.constant 0 : i32
      %dma_start3A_168 = tpu.memref_slice %arg4[%squeeze3A_162, %dma_start3A_167] : memref<1000000x64xf32, #tpu.memory_space<hbm>> -> memref<1x64xf32, #tpu.memory_space<hbm>>
      %dma_start3A_169 = arith.constant 0 : i32
      %dma_start3A_170 = tpu.memref_slice %arg10[%add3A_164, %dma_start3A_169] : memref<256x64xf32, #tpu.memory_space<vmem>> -> memref<1x64xf32, #tpu.memory_space<vmem>>
      %dma_start3A_171 = arith.constant 0 : i32
      %dma_start3A_172 = tpu.memref_slice %arg4[%squeeze3A_162, %dma_start3A_171] : memref<1000000x64xf32, #tpu.memory_space<hbm>> -> memref<1x64xf32, #tpu.memory_space<hbm>>
      tpu.enqueue_dma source(%dma_start3A_172 : memref<1x64xf32, #tpu.memory_space<hbm>>) target(%dma_start3A_170 : memref<1x64xf32, #tpu.memory_space<vmem>>) target_semaphore(%arg12 : memref<!tpu.dma_semaphore, #tpu.memory_space<semaphore_mem>>)
      %slice3A_173 = vector.extract_strided_slice %get3A_113 {offsets = [2], sizes = [1], strides = [1]} : vector<16xi32> to vector<1xi32>
      %squeeze3A_174 = vector.extract %slice3A_173[0] : i32 from vector<1xi32>
      %add3A_175 = arith.constant 2 : i32
      %add3A_176 = arith.addi %mul3A_115, %add3A_175 : i32
      %dma_start3A_177 = arith.constant 0 : i32
      %dma_start3A_178 = tpu.memref_slice %arg11[%add3A_176, %dma_start3A_177] : memref<256x64xf32, #tpu.memory_space<vmem>> -> memref<1x64xf32, #tpu.memory_space<vmem>>
      %dma_start3A_179 = arith.constant 0 : i32
      %dma_start3A_180 = tpu.memref_slice %arg5[%squeeze3A_174, %dma_start3A_179] : memref<100000x64xf32, #tpu.memory_space<hbm>> -> memref<1x64xf32, #tpu.memory_space<hbm>>
      %dma_start3A_181 = arith.constant 0 : i32
      %dma_start3A_182 = tpu.memref_slice %arg11[%add3A_176, %dma_start3A_181] : memref<256x64xf32, #tpu.memory_space<vmem>> -> memref<1x64xf32, #tpu.memory_space<vmem>>
      %dma_start3A_183 = arith.constant 0 : i32
      %dma_start3A_184 = tpu.memref_slice %arg5[%squeeze3A_174, %dma_start3A_183] : memref<100000x64xf32, #tpu.memory_space<hbm>> -> memref<1x64xf32, #tpu.memory_space<hbm>>
      tpu.enqueue_dma source(%dma_start3A_184 : memref<1x64xf32, #tpu.memory_space<hbm>>) target(%dma_start3A_182 : memref<1x64xf32, #tpu.memory_space<vmem>>) target_semaphore(%arg12 : memref<!tpu.dma_semaphore, #tpu.memory_space<semaphore_mem>>)
      %slice3A_185 = vector.extract_strided_slice %get3A_109 {offsets = [3], sizes = [1], strides = [1]} : vector<16xi32> to vector<1xi32>
      %squeeze3A_186 = vector.extract %slice3A_185[0] : i32 from vector<1xi32>
      %add3A_187 = arith.constant 3 : i32
      %add3A_188 = arith.addi %mul3A_115, %add3A_187 : i32
      %dma_start3A_189 = arith.constant 0 : i32
      %dma_start3A_190 = tpu.memref_slice %arg10[%add3A_188, %dma_start3A_189] : memref<256x64xf32, #tpu.memory_space<vmem>> -> memref<1x64xf32, #tpu.memory_space<vmem>>
      %dma_start3A_191 = arith.constant 0 : i32
      %dma_start3A_192 = tpu.memref_slice %arg4[%squeeze3A_186, %dma_start3A_191] : memref<1000000x64xf32, #tpu.memory_space<hbm>> -> memref<1x64xf32, #tpu.memory_space<hbm>>
      %dma_start3A_193 = arith.constant 0 : i32
      %dma_start3A_194 = tpu.memref_slice %arg10[%add3A_188, %dma_start3A_193] : memref<256x64xf32, #tpu.memory_space<vmem>> -> memref<1x64xf32, #tpu.memory_space<vmem>>
      %dma_start3A_195 = arith.constant 0 : i32
      %dma_start3A_196 = tpu.memref_slice %arg4[%squeeze3A_186, %dma_start3A_195] : memref<1000000x64xf32, #tpu.memory_space<hbm>> -> memref<1x64xf32, #tpu.memory_space<hbm>>
      tpu.enqueue_dma source(%dma_start3A_196 : memref<1x64xf32, #tpu.memory_space<hbm>>) target(%dma_start3A_194 : memref<1x64xf32, #tpu.memory_space<vmem>>) target_semaphore(%arg12 : memref<!tpu.dma_semaphore, #tpu.memory_space<semaphore_mem>>)
      %slice3A_197 = vector.extract_strided_slice %get3A_113 {offsets = [3], sizes = [1], strides = [1]} : vector<16xi32> to vector<1xi32>
      %squeeze3A_198 = vector.extract %slice3A_197[0] : i32 from vector<1xi32>
      %add3A_199 = arith.constant 3 : i32
      %add3A_200 = arith.addi %mul3A_115, %add3A_199 : i32
      %dma_start3A_201 = arith.constant 0 : i32
      %dma_start3A_202 = tpu.memref_slice %arg11[%add3A_200, %dma_start3A_201] : memref<256x64xf32, #tpu.memory_space<vmem>> -> memref<1x64xf32, #tpu.memory_space<vmem>>
      %dma_start3A_203 = arith.constant 0 : i32
      %dma_start3A_204 = tpu.memref_slice %arg5[%squeeze3A_198, %dma_start3A_203] : memref<100000x64xf32, #tpu.memory_space<hbm>> -> memref<1x64xf32, #tpu.memory_space<hbm>>
      %dma_start3A_205 = arith.constant 0 : i32
      %dma_start3A_206 = tpu.memref_slice %arg11[%add3A_200, %dma_start3A_205] : memref<256x64xf32, #tpu.memory_space<vmem>> -> memref<1x64xf32, #tpu.memory_space<vmem>>
      %dma_start3A_207 = arith.constant 0 : i32
      %dma_start3A_208 = tpu.memref_slice %arg5[%squeeze3A_198, %dma_start3A_207] : memref<100000x64xf32, #tpu.memory_space<hbm>> -> memref<1x64xf32, #tpu.memory_space<hbm>>
      tpu.enqueue_dma source(%dma_start3A_208 : memref<1x64xf32, #tpu.memory_space<hbm>>) target(%dma_start3A_206 : memref<1x64xf32, #tpu.memory_space<vmem>>) target_semaphore(%arg12 : memref<!tpu.dma_semaphore, #tpu.memory_space<semaphore_mem>>)
      %slice3A_209 = vector.extract_strided_slice %get3A_109 {offsets = [4], sizes = [1], strides = [1]} : vector<16xi32> to vector<1xi32>
      %squeeze3A_210 = vector.extract %slice3A_209[0] : i32 from vector<1xi32>
      %add3A_211 = arith.constant 4 : i32
      %add3A_212 = arith.addi %mul3A_115, %add3A_211 : i32
      %dma_start3A_213 = arith.constant 0 : i32
      %dma_start3A_214 = tpu.memref_slice %arg10[%add3A_212, %dma_start3A_213] : memref<256x64xf32, #tpu.memory_space<vmem>> -> memref<1x64xf32, #tpu.memory_space<vmem>>
      %dma_start3A_215 = arith.constant 0 : i32
      %dma_start3A_216 = tpu.memref_slice %arg4[%squeeze3A_210, %dma_start3A_215] : memref<1000000x64xf32, #tpu.memory_space<hbm>> -> memref<1x64xf32, #tpu.memory_space<hbm>>
      %dma_start3A_217 = arith.constant 0 : i32
      %dma_start3A_218 = tpu.memref_slice %arg10[%add3A_212, %dma_start3A_217] : memref<256x64xf32, #tpu.memory_space<vmem>> -> memref<1x64xf32, #tpu.memory_space<vmem>>
      %dma_start3A_219 = arith.constant 0 : i32
      %dma_start3A_220 = tpu.memref_slice %arg4[%squeeze3A_210, %dma_start3A_219] : memref<1000000x64xf32, #tpu.memory_space<hbm>> -> memref<1x64xf32, #tpu.memory_space<hbm>>
      tpu.enqueue_dma source(%dma_start3A_220 : memref<1x64xf32, #tpu.memory_space<hbm>>) target(%dma_start3A_218 : memref<1x64xf32, #tpu.memory_space<vmem>>) target_semaphore(%arg12 : memref<!tpu.dma_semaphore, #tpu.memory_space<semaphore_mem>>)
      %slice3A_221 = vector.extract_strided_slice %get3A_113 {offsets = [4], sizes = [1], strides = [1]} : vector<16xi32> to vector<1xi32>
      %squeeze3A_222 = vector.extract %slice3A_221[0] : i32 from vector<1xi32>
      %add3A_223 = arith.constant 4 : i32
      %add3A_224 = arith.addi %mul3A_115, %add3A_223 : i32
      %dma_start3A_225 = arith.constant 0 : i32
      %dma_start3A_226 = tpu.memref_slice %arg11[%add3A_224, %dma_start3A_225] : memref<256x64xf32, #tpu.memory_space<vmem>> -> memref<1x64xf32, #tpu.memory_space<vmem>>
      %dma_start3A_227 = arith.constant 0 : i32
      %dma_start3A_228 = tpu.memref_slice %arg5[%squeeze3A_222, %dma_start3A_227] : memref<100000x64xf32, #tpu.memory_space<hbm>> -> memref<1x64xf32, #tpu.memory_space<hbm>>
      %dma_start3A_229 = arith.constant 0 : i32
      %dma_start3A_230 = tpu.memref_slice %arg11[%add3A_224, %dma_start3A_229] : memref<256x64xf32, #tpu.memory_space<vmem>> -> memref<1x64xf32, #tpu.memory_space<vmem>>
      %dma_start3A_231 = arith.constant 0 : i32
      %dma_start3A_232 = tpu.memref_slice %arg5[%squeeze3A_222, %dma_start3A_231] : memref<100000x64xf32, #tpu.memory_space<hbm>> -> memref<1x64xf32, #tpu.memory_space<hbm>>
      tpu.enqueue_dma source(%dma_start3A_232 : memref<1x64xf32, #tpu.memory_space<hbm>>) target(%dma_start3A_230 : memref<1x64xf32, #tpu.memory_space<vmem>>) target_semaphore(%arg12 : memref<!tpu.dma_semaphore, #tpu.memory_space<semaphore_mem>>)
      %slice3A_233 = vector.extract_strided_slice %get3A_109 {offsets = [5], sizes = [1], strides = [1]} : vector<16xi32> to vector<1xi32>
      %squeeze3A_234 = vector.extract %slice3A_233[0] : i32 from vector<1xi32>
      %add3A_235 = arith.constant 5 : i32
      %add3A_236 = arith.addi %mul3A_115, %add3A_235 : i32
      %dma_start3A_237 = arith.constant 0 : i32
      %dma_start3A_238 = tpu.memref_slice %arg10[%add3A_236, %dma_start3A_237] : memref<256x64xf32, #tpu.memory_space<vmem>> -> memref<1x64xf32, #tpu.memory_space<vmem>>
      %dma_start3A_239 = arith.constant 0 : i32
      %dma_start3A_240 = tpu.memref_slice %arg4[%squeeze3A_234, %dma_start3A_239] : memref<1000000x64xf32, #tpu.memory_space<hbm>> -> memref<1x64xf32, #tpu.memory_space<hbm>>
      %dma_start3A_241 = arith.constant 0 : i32
      %dma_start3A_242 = tpu.memref_slice %arg10[%add3A_236, %dma_start3A_241] : memref<256x64xf32, #tpu.memory_space<vmem>> -> memref<1x64xf32, #tpu.memory_space<vmem>>
      %dma_start3A_243 = arith.constant 0 : i32
      %dma_start3A_244 = tpu.memref_slice %arg4[%squeeze3A_234, %dma_start3A_243] : memref<1000000x64xf32, #tpu.memory_space<hbm>> -> memref<1x64xf32, #tpu.memory_space<hbm>>
      tpu.enqueue_dma source(%dma_start3A_244 : memref<1x64xf32, #tpu.memory_space<hbm>>) target(%dma_start3A_242 : memref<1x64xf32, #tpu.memory_space<vmem>>) target_semaphore(%arg12 : memref<!tpu.dma_semaphore, #tpu.memory_space<semaphore_mem>>)
      %slice3A_245 = vector.extract_strided_slice %get3A_113 {offsets = [5], sizes = [1], strides = [1]} : vector<16xi32> to vector<1xi32>
      %squeeze3A_246 = vector.extract %slice3A_245[0] : i32 from vector<1xi32>
      %add3A_247 = arith.constant 5 : i32
      %add3A_248 = arith.addi %mul3A_115, %add3A_247 : i32
      %dma_start3A_249 = arith.constant 0 : i32
      %dma_start3A_250 = tpu.memref_slice %arg11[%add3A_248, %dma_start3A_249] : memref<256x64xf32, #tpu.memory_space<vmem>> -> memref<1x64xf32, #tpu.memory_space<vmem>>
      %dma_start3A_251 = arith.constant 0 : i32
      %dma_start3A_252 = tpu.memref_slice %arg5[%squeeze3A_246, %dma_start3A_251] : memref<100000x64xf32, #tpu.memory_space<hbm>> -> memref<1x64xf32, #tpu.memory_space<hbm>>
      %dma_start3A_253 = arith.constant 0 : i32
      %dma_start3A_254 = tpu.memref_slice %arg11[%add3A_248, %dma_start3A_253] : memref<256x64xf32, #tpu.memory_space<vmem>> -> memref<1x64xf32, #tpu.memory_space<vmem>>
      %dma_start3A_255 = arith.constant 0 : i32
      %dma_start3A_256 = tpu.memref_slice %arg5[%squeeze3A_246, %dma_start3A_255] : memref<100000x64xf32, #tpu.memory_space<hbm>> -> memref<1x64xf32, #tpu.memory_space<hbm>>
      tpu.enqueue_dma source(%dma_start3A_256 : memref<1x64xf32, #tpu.memory_space<hbm>>) target(%dma_start3A_254 : memref<1x64xf32, #tpu.memory_space<vmem>>) target_semaphore(%arg12 : memref<!tpu.dma_semaphore, #tpu.memory_space<semaphore_mem>>)
      %slice3A_257 = vector.extract_strided_slice %get3A_109 {offsets = [6], sizes = [1], strides = [1]} : vector<16xi32> to vector<1xi32>
      %squeeze3A_258 = vector.extract %slice3A_257[0] : i32 from vector<1xi32>
      %add3A_259 = arith.constant 6 : i32
      %add3A_260 = arith.addi %mul3A_115, %add3A_259 : i32
      %dma_start3A_261 = arith.constant 0 : i32
      %dma_start3A_262 = tpu.memref_slice %arg10[%add3A_260, %dma_start3A_261] : memref<256x64xf32, #tpu.memory_space<vmem>> -> memref<1x64xf32, #tpu.memory_space<vmem>>
      %dma_start3A_263 = arith.constant 0 : i32
      %dma_start3A_264 = tpu.memref_slice %arg4[%squeeze3A_258, %dma_start3A_263] : memref<1000000x64xf32, #tpu.memory_space<hbm>> -> memref<1x64xf32, #tpu.memory_space<hbm>>
      %dma_start3A_265 = arith.constant 0 : i32
      %dma_start3A_266 = tpu.memref_slice %arg10[%add3A_260, %dma_start3A_265] : memref<256x64xf32, #tpu.memory_space<vmem>> -> memref<1x64xf32, #tpu.memory_space<vmem>>
      %dma_start3A_267 = arith.constant 0 : i32
      %dma_start3A_268 = tpu.memref_slice %arg4[%squeeze3A_258, %dma_start3A_267] : memref<1000000x64xf32, #tpu.memory_space<hbm>> -> memref<1x64xf32, #tpu.memory_space<hbm>>
      tpu.enqueue_dma source(%dma_start3A_268 : memref<1x64xf32, #tpu.memory_space<hbm>>) target(%dma_start3A_266 : memref<1x64xf32, #tpu.memory_space<vmem>>) target_semaphore(%arg12 : memref<!tpu.dma_semaphore, #tpu.memory_space<semaphore_mem>>)
      %slice3A_269 = vector.extract_strided_slice %get3A_113 {offsets = [6], sizes = [1], strides = [1]} : vector<16xi32> to vector<1xi32>
      %squeeze3A_270 = vector.extract %slice3A_269[0] : i32 from vector<1xi32>
      %add3A_271 = arith.constant 6 : i32
      %add3A_272 = arith.addi %mul3A_115, %add3A_271 : i32
      %dma_start3A_273 = arith.constant 0 : i32
      %dma_start3A_274 = tpu.memref_slice %arg11[%add3A_272, %dma_start3A_273] : memref<256x64xf32, #tpu.memory_space<vmem>> -> memref<1x64xf32, #tpu.memory_space<vmem>>
      %dma_start3A_275 = arith.constant 0 : i32
      %dma_start3A_276 = tpu.memref_slice %arg5[%squeeze3A_270, %dma_start3A_275] : memref<100000x64xf32, #tpu.memory_space<hbm>> -> memref<1x64xf32, #tpu.memory_space<hbm>>
      %dma_start3A_277 = arith.constant 0 : i32
      %dma_start3A_278 = tpu.memref_slice %arg11[%add3A_272, %dma_start3A_277] : memref<256x64xf32, #tpu.memory_space<vmem>> -> memref<1x64xf32, #tpu.memory_space<vmem>>
      %dma_start3A_279 = arith.constant 0 : i32
      %dma_start3A_280 = tpu.memref_slice %arg5[%squeeze3A_270, %dma_start3A_279] : memref<100000x64xf32, #tpu.memory_space<hbm>> -> memref<1x64xf32, #tpu.memory_space<hbm>>
      tpu.enqueue_dma source(%dma_start3A_280 : memref<1x64xf32, #tpu.memory_space<hbm>>) target(%dma_start3A_278 : memref<1x64xf32, #tpu.memory_space<vmem>>) target_semaphore(%arg12 : memref<!tpu.dma_semaphore, #tpu.memory_space<semaphore_mem>>)
      %slice3A_281 = vector.extract_strided_slice %get3A_109 {offsets = [7], sizes = [1], strides = [1]} : vector<16xi32> to vector<1xi32>
      %squeeze3A_282 = vector.extract %slice3A_281[0] : i32 from vector<1xi32>
      %add3A_283 = arith.constant 7 : i32
      %add3A_284 = arith.addi %mul3A_115, %add3A_283 : i32
      %dma_start3A_285 = arith.constant 0 : i32
      %dma_start3A_286 = tpu.memref_slice %arg10[%add3A_284, %dma_start3A_285] : memref<256x64xf32, #tpu.memory_space<vmem>> -> memref<1x64xf32, #tpu.memory_space<vmem>>
      %dma_start3A_287 = arith.constant 0 : i32
      %dma_start3A_288 = tpu.memref_slice %arg4[%squeeze3A_282, %dma_start3A_287] : memref<1000000x64xf32, #tpu.memory_space<hbm>> -> memref<1x64xf32, #tpu.memory_space<hbm>>
      %dma_start3A_289 = arith.constant 0 : i32
      %dma_start3A_290 = tpu.memref_slice %arg10[%add3A_284, %dma_start3A_289] : memref<256x64xf32, #tpu.memory_space<vmem>> -> memref<1x64xf32, #tpu.memory_space<vmem>>
      %dma_start3A_291 = arith.constant 0 : i32
      %dma_start3A_292 = tpu.memref_slice %arg4[%squeeze3A_282, %dma_start3A_291] : memref<1000000x64xf32, #tpu.memory_space<hbm>> -> memref<1x64xf32, #tpu.memory_space<hbm>>
      tpu.enqueue_dma source(%dma_start3A_292 : memref<1x64xf32, #tpu.memory_space<hbm>>) target(%dma_start3A_290 : memref<1x64xf32, #tpu.memory_space<vmem>>) target_semaphore(%arg12 : memref<!tpu.dma_semaphore, #tpu.memory_space<semaphore_mem>>)
      %slice3A_293 = vector.extract_strided_slice %get3A_113 {offsets = [7], sizes = [1], strides = [1]} : vector<16xi32> to vector<1xi32>
      %squeeze3A_294 = vector.extract %slice3A_293[0] : i32 from vector<1xi32>
      %add3A_295 = arith.constant 7 : i32
      %add3A_296 = arith.addi %mul3A_115, %add3A_295 : i32
      %dma_start3A_297 = arith.constant 0 : i32
      %dma_start3A_298 = tpu.memref_slice %arg11[%add3A_296, %dma_start3A_297] : memref<256x64xf32, #tpu.memory_space<vmem>> -> memref<1x64xf32, #tpu.memory_space<vmem>>
      %dma_start3A_299 = arith.constant 0 : i32
      %dma_start3A_300 = tpu.memref_slice %arg5[%squeeze3A_294, %dma_start3A_299] : memref<100000x64xf32, #tpu.memory_space<hbm>> -> memref<1x64xf32, #tpu.memory_space<hbm>>
      %dma_start3A_301 = arith.constant 0 : i32
      %dma_start3A_302 = tpu.memref_slice %arg11[%add3A_296, %dma_start3A_301] : memref<256x64xf32, #tpu.memory_space<vmem>> -> memref<1x64xf32, #tpu.memory_space<vmem>>
      %dma_start3A_303 = arith.constant 0 : i32
      %dma_start3A_304 = tpu.memref_slice %arg5[%squeeze3A_294, %dma_start3A_303] : memref<100000x64xf32, #tpu.memory_space<hbm>> -> memref<1x64xf32, #tpu.memory_space<hbm>>
      tpu.enqueue_dma source(%dma_start3A_304 : memref<1x64xf32, #tpu.memory_space<hbm>>) target(%dma_start3A_302 : memref<1x64xf32, #tpu.memory_space<vmem>>) target_semaphore(%arg12 : memref<!tpu.dma_semaphore, #tpu.memory_space<semaphore_mem>>)
      %slice3A_305 = vector.extract_strided_slice %get3A_109 {offsets = [8], sizes = [1], strides = [1]} : vector<16xi32> to vector<1xi32>
      %squeeze3A_306 = vector.extract %slice3A_305[0] : i32 from vector<1xi32>
      %add3A_307 = arith.constant 8 : i32
      %add3A_308 = arith.addi %mul3A_115, %add3A_307 : i32
      %dma_start3A_309 = arith.constant 0 : i32
      %dma_start3A_310 = tpu.memref_slice %arg10[%add3A_308, %dma_start3A_309] : memref<256x64xf32, #tpu.memory_space<vmem>> -> memref<1x64xf32, #tpu.memory_space<vmem>>
      %dma_start3A_311 = arith.constant 0 : i32
      %dma_start3A_312 = tpu.memref_slice %arg4[%squeeze3A_306, %dma_start3A_311] : memref<1000000x64xf32, #tpu.memory_space<hbm>> -> memref<1x64xf32, #tpu.memory_space<hbm>>
      %dma_start3A_313 = arith.constant 0 : i32
      %dma_start3A_314 = tpu.memref_slice %arg10[%add3A_308, %dma_start3A_313] : memref<256x64xf32, #tpu.memory_space<vmem>> -> memref<1x64xf32, #tpu.memory_space<vmem>>
      %dma_start3A_315 = arith.constant 0 : i32
      %dma_start3A_316 = tpu.memref_slice %arg4[%squeeze3A_306, %dma_start3A_315] : memref<1000000x64xf32, #tpu.memory_space<hbm>> -> memref<1x64xf32, #tpu.memory_space<hbm>>
      tpu.enqueue_dma source(%dma_start3A_316 : memref<1x64xf32, #tpu.memory_space<hbm>>) target(%dma_start3A_314 : memref<1x64xf32, #tpu.memory_space<vmem>>) target_semaphore(%arg12 : memref<!tpu.dma_semaphore, #tpu.memory_space<semaphore_mem>>)
      %slice3A_317 = vector.extract_strided_slice %get3A_113 {offsets = [8], sizes = [1], strides = [1]} : vector<16xi32> to vector<1xi32>
      %squeeze3A_318 = vector.extract %slice3A_317[0] : i32 from vector<1xi32>
      %add3A_319 = arith.constant 8 : i32
      %add3A_320 = arith.addi %mul3A_115, %add3A_319 : i32
      %dma_start3A_321 = arith.constant 0 : i32
      %dma_start3A_322 = tpu.memref_slice %arg11[%add3A_320, %dma_start3A_321] : memref<256x64xf32, #tpu.memory_space<vmem>> -> memref<1x64xf32, #tpu.memory_space<vmem>>
      %dma_start3A_323 = arith.constant 0 : i32
      %dma_start3A_324 = tpu.memref_slice %arg5[%squeeze3A_318, %dma_start3A_323] : memref<100000x64xf32, #tpu.memory_space<hbm>> -> memref<1x64xf32, #tpu.memory_space<hbm>>
      %dma_start3A_325 = arith.constant 0 : i32
      %dma_start3A_326 = tpu.memref_slice %arg11[%add3A_320, %dma_start3A_325] : memref<256x64xf32, #tpu.memory_space<vmem>> -> memref<1x64xf32, #tpu.memory_space<vmem>>
      %dma_start3A_327 = arith.constant 0 : i32
      %dma_start3A_328 = tpu.memref_slice %arg5[%squeeze3A_318, %dma_start3A_327] : memref<100000x64xf32, #tpu.memory_space<hbm>> -> memref<1x64xf32, #tpu.memory_space<hbm>>
      tpu.enqueue_dma source(%dma_start3A_328 : memref<1x64xf32, #tpu.memory_space<hbm>>) target(%dma_start3A_326 : memref<1x64xf32, #tpu.memory_space<vmem>>) target_semaphore(%arg12 : memref<!tpu.dma_semaphore, #tpu.memory_space<semaphore_mem>>)
      %slice3A_329 = vector.extract_strided_slice %get3A_109 {offsets = [9], sizes = [1], strides = [1]} : vector<16xi32> to vector<1xi32>
      %squeeze3A_330 = vector.extract %slice3A_329[0] : i32 from vector<1xi32>
      %add3A_331 = arith.constant 9 : i32
      %add3A_332 = arith.addi %mul3A_115, %add3A_331 : i32
      %dma_start3A_333 = arith.constant 0 : i32
      %dma_start3A_334 = tpu.memref_slice %arg10[%add3A_332, %dma_start3A_333] : memref<256x64xf32, #tpu.memory_space<vmem>> -> memref<1x64xf32, #tpu.memory_space<vmem>>
      %dma_start3A_335 = arith.constant 0 : i32
      %dma_start3A_336 = tpu.memref_slice %arg4[%squeeze3A_330, %dma_start3A_335] : memref<1000000x64xf32, #tpu.memory_space<hbm>> -> memref<1x64xf32, #tpu.memory_space<hbm>>
      %dma_start3A_337 = arith.constant 0 : i32
      %dma_start3A_338 = tpu.memref_slice %arg10[%add3A_332, %dma_start3A_337] : memref<256x64xf32, #tpu.memory_space<vmem>> -> memref<1x64xf32, #tpu.memory_space<vmem>>
      %dma_start3A_339 = arith.constant 0 : i32
      %dma_start3A_340 = tpu.memref_slice %arg4[%squeeze3A_330, %dma_start3A_339] : memref<1000000x64xf32, #tpu.memory_space<hbm>> -> memref<1x64xf32, #tpu.memory_space<hbm>>
      tpu.enqueue_dma source(%dma_start3A_340 : memref<1x64xf32, #tpu.memory_space<hbm>>) target(%dma_start3A_338 : memref<1x64xf32, #tpu.memory_space<vmem>>) target_semaphore(%arg12 : memref<!tpu.dma_semaphore, #tpu.memory_space<semaphore_mem>>)
      %slice3A_341 = vector.extract_strided_slice %get3A_113 {offsets = [9], sizes = [1], strides = [1]} : vector<16xi32> to vector<1xi32>
      %squeeze3A_342 = vector.extract %slice3A_341[0] : i32 from vector<1xi32>
      %add3A_343 = arith.constant 9 : i32
      %add3A_344 = arith.addi %mul3A_115, %add3A_343 : i32
      %dma_start3A_345 = arith.constant 0 : i32
      %dma_start3A_346 = tpu.memref_slice %arg11[%add3A_344, %dma_start3A_345] : memref<256x64xf32, #tpu.memory_space<vmem>> -> memref<1x64xf32, #tpu.memory_space<vmem>>
      %dma_start3A_347 = arith.constant 0 : i32
      %dma_start3A_348 = tpu.memref_slice %arg5[%squeeze3A_342, %dma_start3A_347] : memref<100000x64xf32, #tpu.memory_space<hbm>> -> memref<1x64xf32, #tpu.memory_space<hbm>>
      %dma_start3A_349 = arith.constant 0 : i32
      %dma_start3A_350 = tpu.memref_slice %arg11[%add3A_344, %dma_start3A_349] : memref<256x64xf32, #tpu.memory_space<vmem>> -> memref<1x64xf32, #tpu.memory_space<vmem>>
      %dma_start3A_351 = arith.constant 0 : i32
      %dma_start3A_352 = tpu.memref_slice %arg5[%squeeze3A_342, %dma_start3A_351] : memref<100000x64xf32, #tpu.memory_space<hbm>> -> memref<1x64xf32, #tpu.memory_space<hbm>>
      tpu.enqueue_dma source(%dma_start3A_352 : memref<1x64xf32, #tpu.memory_space<hbm>>) target(%dma_start3A_350 : memref<1x64xf32, #tpu.memory_space<vmem>>) target_semaphore(%arg12 : memref<!tpu.dma_semaphore, #tpu.memory_space<semaphore_mem>>)
      %slice3A_353 = vector.extract_strided_slice %get3A_109 {offsets = [10], sizes = [1], strides = [1]} : vector<16xi32> to vector<1xi32>
      %squeeze3A_354 = vector.extract %slice3A_353[0] : i32 from vector<1xi32>
      %add3A_355 = arith.constant 10 : i32
      %add3A_356 = arith.addi %mul3A_115, %add3A_355 : i32
      %dma_start3A_357 = arith.constant 0 : i32
      %dma_start3A_358 = tpu.memref_slice %arg10[%add3A_356, %dma_start3A_357] : memref<256x64xf32, #tpu.memory_space<vmem>> -> memref<1x64xf32, #tpu.memory_space<vmem>>
      %dma_start3A_359 = arith.constant 0 : i32
      %dma_start3A_360 = tpu.memref_slice %arg4[%squeeze3A_354, %dma_start3A_359] : memref<1000000x64xf32, #tpu.memory_space<hbm>> -> memref<1x64xf32, #tpu.memory_space<hbm>>
      %dma_start3A_361 = arith.constant 0 : i32
      %dma_start3A_362 = tpu.memref_slice %arg10[%add3A_356, %dma_start3A_361] : memref<256x64xf32, #tpu.memory_space<vmem>> -> memref<1x64xf32, #tpu.memory_space<vmem>>
      %dma_start3A_363 = arith.constant 0 : i32
      %dma_start3A_364 = tpu.memref_slice %arg4[%squeeze3A_354, %dma_start3A_363] : memref<1000000x64xf32, #tpu.memory_space<hbm>> -> memref<1x64xf32, #tpu.memory_space<hbm>>
      tpu.enqueue_dma source(%dma_start3A_364 : memref<1x64xf32, #tpu.memory_space<hbm>>) target(%dma_start3A_362 : memref<1x64xf32, #tpu.memory_space<vmem>>) target_semaphore(%arg12 : memref<!tpu.dma_semaphore, #tpu.memory_space<semaphore_mem>>)
      %slice3A_365 = vector.extract_strided_slice %get3A_113 {offsets = [10], sizes = [1], strides = [1]} : vector<16xi32> to vector<1xi32>
      %squeeze3A_366 = vector.extract %slice3A_365[0] : i32 from vector<1xi32>
      %add3A_367 = arith.constant 10 : i32
      %add3A_368 = arith.addi %mul3A_115, %add3A_367 : i32
      %dma_start3A_369 = arith.constant 0 : i32
      %dma_start3A_370 = tpu.memref_slice %arg11[%add3A_368, %dma_start3A_369] : memref<256x64xf32, #tpu.memory_space<vmem>> -> memref<1x64xf32, #tpu.memory_space<vmem>>
      %dma_start3A_371 = arith.constant 0 : i32
      %dma_start3A_372 = tpu.memref_slice %arg5[%squeeze3A_366, %dma_start3A_371] : memref<100000x64xf32, #tpu.memory_space<hbm>> -> memref<1x64xf32, #tpu.memory_space<hbm>>
      %dma_start3A_373 = arith.constant 0 : i32
      %dma_start3A_374 = tpu.memref_slice %arg11[%add3A_368, %dma_start3A_373] : memref<256x64xf32, #tpu.memory_space<vmem>> -> memref<1x64xf32, #tpu.memory_space<vmem>>
      %dma_start3A_375 = arith.constant 0 : i32
      %dma_start3A_376 = tpu.memref_slice %arg5[%squeeze3A_366, %dma_start3A_375] : memref<100000x64xf32, #tpu.memory_space<hbm>> -> memref<1x64xf32, #tpu.memory_space<hbm>>
      tpu.enqueue_dma source(%dma_start3A_376 : memref<1x64xf32, #tpu.memory_space<hbm>>) target(%dma_start3A_374 : memref<1x64xf32, #tpu.memory_space<vmem>>) target_semaphore(%arg12 : memref<!tpu.dma_semaphore, #tpu.memory_space<semaphore_mem>>)
      %slice3A_377 = vector.extract_strided_slice %get3A_109 {offsets = [11], sizes = [1], strides = [1]} : vector<16xi32> to vector<1xi32>
      %squeeze3A_378 = vector.extract %slice3A_377[0] : i32 from vector<1xi32>
      %add3A_379 = arith.constant 11 : i32
      %add3A_380 = arith.addi %mul3A_115, %add3A_379 : i32
      %dma_start3A_381 = arith.constant 0 : i32
      %dma_start3A_382 = tpu.memref_slice %arg10[%add3A_380, %dma_start3A_381] : memref<256x64xf32, #tpu.memory_space<vmem>> -> memref<1x64xf32, #tpu.memory_space<vmem>>
      %dma_start3A_383 = arith.constant 0 : i32
      %dma_start3A_384 = tpu.memref_slice %arg4[%squeeze3A_378, %dma_start3A_383] : memref<1000000x64xf32, #tpu.memory_space<hbm>> -> memref<1x64xf32, #tpu.memory_space<hbm>>
      %dma_start3A_385 = arith.constant 0 : i32
      %dma_start3A_386 = tpu.memref_slice %arg10[%add3A_380, %dma_start3A_385] : memref<256x64xf32, #tpu.memory_space<vmem>> -> memref<1x64xf32, #tpu.memory_space<vmem>>
      %dma_start3A_387 = arith.constant 0 : i32
      %dma_start3A_388 = tpu.memref_slice %arg4[%squeeze3A_378, %dma_start3A_387] : memref<1000000x64xf32, #tpu.memory_space<hbm>> -> memref<1x64xf32, #tpu.memory_space<hbm>>
      tpu.enqueue_dma source(%dma_start3A_388 : memref<1x64xf32, #tpu.memory_space<hbm>>) target(%dma_start3A_386 : memref<1x64xf32, #tpu.memory_space<vmem>>) target_semaphore(%arg12 : memref<!tpu.dma_semaphore, #tpu.memory_space<semaphore_mem>>)
      %slice3A_389 = vector.extract_strided_slice %get3A_113 {offsets = [11], sizes = [1], strides = [1]} : vector<16xi32> to vector<1xi32>
      %squeeze3A_390 = vector.extract %slice3A_389[0] : i32 from vector<1xi32>
      %add3A_391 = arith.constant 11 : i32
      %add3A_392 = arith.addi %mul3A_115, %add3A_391 : i32
      %dma_start3A_393 = arith.constant 0 : i32
      %dma_start3A_394 = tpu.memref_slice %arg11[%add3A_392, %dma_start3A_393] : memref<256x64xf32, #tpu.memory_space<vmem>> -> memref<1x64xf32, #tpu.memory_space<vmem>>
      %dma_start3A_395 = arith.constant 0 : i32
      %dma_start3A_396 = tpu.memref_slice %arg5[%squeeze3A_390, %dma_start3A_395] : memref<100000x64xf32, #tpu.memory_space<hbm>> -> memref<1x64xf32, #tpu.memory_space<hbm>>
      %dma_start3A_397 = arith.constant 0 : i32
      %dma_start3A_398 = tpu.memref_slice %arg11[%add3A_392, %dma_start3A_397] : memref<256x64xf32, #tpu.memory_space<vmem>> -> memref<1x64xf32, #tpu.memory_space<vmem>>
      %dma_start3A_399 = arith.constant 0 : i32
      %dma_start3A_400 = tpu.memref_slice %arg5[%squeeze3A_390, %dma_start3A_399] : memref<100000x64xf32, #tpu.memory_space<hbm>> -> memref<1x64xf32, #tpu.memory_space<hbm>>
      tpu.enqueue_dma source(%dma_start3A_400 : memref<1x64xf32, #tpu.memory_space<hbm>>) target(%dma_start3A_398 : memref<1x64xf32, #tpu.memory_space<vmem>>) target_semaphore(%arg12 : memref<!tpu.dma_semaphore, #tpu.memory_space<semaphore_mem>>)
      %slice3A_401 = vector.extract_strided_slice %get3A_109 {offsets = [12], sizes = [1], strides = [1]} : vector<16xi32> to vector<1xi32>
      %squeeze3A_402 = vector.extract %slice3A_401[0] : i32 from vector<1xi32>
      %add3A_403 = arith.constant 12 : i32
      %add3A_404 = arith.addi %mul3A_115, %add3A_403 : i32
      %dma_start3A_405 = arith.constant 0 : i32
      %dma_start3A_406 = tpu.memref_slice %arg10[%add3A_404, %dma_start3A_405] : memref<256x64xf32, #tpu.memory_space<vmem>> -> memref<1x64xf32, #tpu.memory_space<vmem>>
      %dma_start3A_407 = arith.constant 0 : i32
      %dma_start3A_408 = tpu.memref_slice %arg4[%squeeze3A_402, %dma_start3A_407] : memref<1000000x64xf32, #tpu.memory_space<hbm>> -> memref<1x64xf32, #tpu.memory_space<hbm>>
      %dma_start3A_409 = arith.constant 0 : i32
      %dma_start3A_410 = tpu.memref_slice %arg10[%add3A_404, %dma_start3A_409] : memref<256x64xf32, #tpu.memory_space<vmem>> -> memref<1x64xf32, #tpu.memory_space<vmem>>
      %dma_start3A_411 = arith.constant 0 : i32
      %dma_start3A_412 = tpu.memref_slice %arg4[%squeeze3A_402, %dma_start3A_411] : memref<1000000x64xf32, #tpu.memory_space<hbm>> -> memref<1x64xf32, #tpu.memory_space<hbm>>
      tpu.enqueue_dma source(%dma_start3A_412 : memref<1x64xf32, #tpu.memory_space<hbm>>) target(%dma_start3A_410 : memref<1x64xf32, #tpu.memory_space<vmem>>) target_semaphore(%arg12 : memref<!tpu.dma_semaphore, #tpu.memory_space<semaphore_mem>>)
      %slice3A_413 = vector.extract_strided_slice %get3A_113 {offsets = [12], sizes = [1], strides = [1]} : vector<16xi32> to vector<1xi32>
      %squeeze3A_414 = vector.extract %slice3A_413[0] : i32 from vector<1xi32>
      %add3A_415 = arith.constant 12 : i32
      %add3A_416 = arith.addi %mul3A_115, %add3A_415 : i32
      %dma_start3A_417 = arith.constant 0 : i32
      %dma_start3A_418 = tpu.memref_slice %arg11[%add3A_416, %dma_start3A_417] : memref<256x64xf32, #tpu.memory_space<vmem>> -> memref<1x64xf32, #tpu.memory_space<vmem>>
      %dma_start3A_419 = arith.constant 0 : i32
      %dma_start3A_420 = tpu.memref_slice %arg5[%squeeze3A_414, %dma_start3A_419] : memref<100000x64xf32, #tpu.memory_space<hbm>> -> memref<1x64xf32, #tpu.memory_space<hbm>>
      %dma_start3A_421 = arith.constant 0 : i32
      %dma_start3A_422 = tpu.memref_slice %arg11[%add3A_416, %dma_start3A_421] : memref<256x64xf32, #tpu.memory_space<vmem>> -> memref<1x64xf32, #tpu.memory_space<vmem>>
      %dma_start3A_423 = arith.constant 0 : i32
      %dma_start3A_424 = tpu.memref_slice %arg5[%squeeze3A_414, %dma_start3A_423] : memref<100000x64xf32, #tpu.memory_space<hbm>> -> memref<1x64xf32, #tpu.memory_space<hbm>>
      tpu.enqueue_dma source(%dma_start3A_424 : memref<1x64xf32, #tpu.memory_space<hbm>>) target(%dma_start3A_422 : memref<1x64xf32, #tpu.memory_space<vmem>>) target_semaphore(%arg12 : memref<!tpu.dma_semaphore, #tpu.memory_space<semaphore_mem>>)
      %slice3A_425 = vector.extract_strided_slice %get3A_109 {offsets = [13], sizes = [1], strides = [1]} : vector<16xi32> to vector<1xi32>
      %squeeze3A_426 = vector.extract %slice3A_425[0] : i32 from vector<1xi32>
      %add3A_427 = arith.constant 13 : i32
      %add3A_428 = arith.addi %mul3A_115, %add3A_427 : i32
      %dma_start3A_429 = arith.constant 0 : i32
      %dma_start3A_430 = tpu.memref_slice %arg10[%add3A_428, %dma_start3A_429] : memref<256x64xf32, #tpu.memory_space<vmem>> -> memref<1x64xf32, #tpu.memory_space<vmem>>
      %dma_start3A_431 = arith.constant 0 : i32
      %dma_start3A_432 = tpu.memref_slice %arg4[%squeeze3A_426, %dma_start3A_431] : memref<1000000x64xf32, #tpu.memory_space<hbm>> -> memref<1x64xf32, #tpu.memory_space<hbm>>
      %dma_start3A_433 = arith.constant 0 : i32
      %dma_start3A_434 = tpu.memref_slice %arg10[%add3A_428, %dma_start3A_433] : memref<256x64xf32, #tpu.memory_space<vmem>> -> memref<1x64xf32, #tpu.memory_space<vmem>>
      %dma_start3A_435 = arith.constant 0 : i32
      %dma_start3A_436 = tpu.memref_slice %arg4[%squeeze3A_426, %dma_start3A_435] : memref<1000000x64xf32, #tpu.memory_space<hbm>> -> memref<1x64xf32, #tpu.memory_space<hbm>>
      tpu.enqueue_dma source(%dma_start3A_436 : memref<1x64xf32, #tpu.memory_space<hbm>>) target(%dma_start3A_434 : memref<1x64xf32, #tpu.memory_space<vmem>>) target_semaphore(%arg12 : memref<!tpu.dma_semaphore, #tpu.memory_space<semaphore_mem>>)
      %slice3A_437 = vector.extract_strided_slice %get3A_113 {offsets = [13], sizes = [1], strides = [1]} : vector<16xi32> to vector<1xi32>
      %squeeze3A_438 = vector.extract %slice3A_437[0] : i32 from vector<1xi32>
      %add3A_439 = arith.constant 13 : i32
      %add3A_440 = arith.addi %mul3A_115, %add3A_439 : i32
      %dma_start3A_441 = arith.constant 0 : i32
      %dma_start3A_442 = tpu.memref_slice %arg11[%add3A_440, %dma_start3A_441] : memref<256x64xf32, #tpu.memory_space<vmem>> -> memref<1x64xf32, #tpu.memory_space<vmem>>
      %dma_start3A_443 = arith.constant 0 : i32
      %dma_start3A_444 = tpu.memref_slice %arg5[%squeeze3A_438, %dma_start3A_443] : memref<100000x64xf32, #tpu.memory_space<hbm>> -> memref<1x64xf32, #tpu.memory_space<hbm>>
      %dma_start3A_445 = arith.constant 0 : i32
      %dma_start3A_446 = tpu.memref_slice %arg11[%add3A_440, %dma_start3A_445] : memref<256x64xf32, #tpu.memory_space<vmem>> -> memref<1x64xf32, #tpu.memory_space<vmem>>
      %dma_start3A_447 = arith.constant 0 : i32
      %dma_start3A_448 = tpu.memref_slice %arg5[%squeeze3A_438, %dma_start3A_447] : memref<100000x64xf32, #tpu.memory_space<hbm>> -> memref<1x64xf32, #tpu.memory_space<hbm>>
      tpu.enqueue_dma source(%dma_start3A_448 : memref<1x64xf32, #tpu.memory_space<hbm>>) target(%dma_start3A_446 : memref<1x64xf32, #tpu.memory_space<vmem>>) target_semaphore(%arg12 : memref<!tpu.dma_semaphore, #tpu.memory_space<semaphore_mem>>)
      %slice3A_449 = vector.extract_strided_slice %get3A_109 {offsets = [14], sizes = [1], strides = [1]} : vector<16xi32> to vector<1xi32>
      %squeeze3A_450 = vector.extract %slice3A_449[0] : i32 from vector<1xi32>
      %add3A_451 = arith.constant 14 : i32
      %add3A_452 = arith.addi %mul3A_115, %add3A_451 : i32
      %dma_start3A_453 = arith.constant 0 : i32
      %dma_start3A_454 = tpu.memref_slice %arg10[%add3A_452, %dma_start3A_453] : memref<256x64xf32, #tpu.memory_space<vmem>> -> memref<1x64xf32, #tpu.memory_space<vmem>>
      %dma_start3A_455 = arith.constant 0 : i32
      %dma_start3A_456 = tpu.memref_slice %arg4[%squeeze3A_450, %dma_start3A_455] : memref<1000000x64xf32, #tpu.memory_space<hbm>> -> memref<1x64xf32, #tpu.memory_space<hbm>>
      %dma_start3A_457 = arith.constant 0 : i32
      %dma_start3A_458 = tpu.memref_slice %arg10[%add3A_452, %dma_start3A_457] : memref<256x64xf32, #tpu.memory_space<vmem>> -> memref<1x64xf32, #tpu.memory_space<vmem>>
      %dma_start3A_459 = arith.constant 0 : i32
      %dma_start3A_460 = tpu.memref_slice %arg4[%squeeze3A_450, %dma_start3A_459] : memref<1000000x64xf32, #tpu.memory_space<hbm>> -> memref<1x64xf32, #tpu.memory_space<hbm>>
      tpu.enqueue_dma source(%dma_start3A_460 : memref<1x64xf32, #tpu.memory_space<hbm>>) target(%dma_start3A_458 : memref<1x64xf32, #tpu.memory_space<vmem>>) target_semaphore(%arg12 : memref<!tpu.dma_semaphore, #tpu.memory_space<semaphore_mem>>)
      %slice3A_461 = vector.extract_strided_slice %get3A_113 {offsets = [14], sizes = [1], strides = [1]} : vector<16xi32> to vector<1xi32>
      %squeeze3A_462 = vector.extract %slice3A_461[0] : i32 from vector<1xi32>
      %add3A_463 = arith.constant 14 : i32
      %add3A_464 = arith.addi %mul3A_115, %add3A_463 : i32
      %dma_start3A_465 = arith.constant 0 : i32
      %dma_start3A_466 = tpu.memref_slice %arg11[%add3A_464, %dma_start3A_465] : memref<256x64xf32, #tpu.memory_space<vmem>> -> memref<1x64xf32, #tpu.memory_space<vmem>>
      %dma_start3A_467 = arith.constant 0 : i32
      %dma_start3A_468 = tpu.memref_slice %arg5[%squeeze3A_462, %dma_start3A_467] : memref<100000x64xf32, #tpu.memory_space<hbm>> -> memref<1x64xf32, #tpu.memory_space<hbm>>
      %dma_start3A_469 = arith.constant 0 : i32
      %dma_start3A_470 = tpu.memref_slice %arg11[%add3A_464, %dma_start3A_469] : memref<256x64xf32, #tpu.memory_space<vmem>> -> memref<1x64xf32, #tpu.memory_space<vmem>>
      %dma_start3A_471 = arith.constant 0 : i32
      %dma_start3A_472 = tpu.memref_slice %arg5[%squeeze3A_462, %dma_start3A_471] : memref<100000x64xf32, #tpu.memory_space<hbm>> -> memref<1x64xf32, #tpu.memory_space<hbm>>
      tpu.enqueue_dma source(%dma_start3A_472 : memref<1x64xf32, #tpu.memory_space<hbm>>) target(%dma_start3A_470 : memref<1x64xf32, #tpu.memory_space<vmem>>) target_semaphore(%arg12 : memref<!tpu.dma_semaphore, #tpu.memory_space<semaphore_mem>>)
      %slice3A_473 = vector.extract_strided_slice %get3A_109 {offsets = [15], sizes = [1], strides = [1]} : vector<16xi32> to vector<1xi32>
      %squeeze3A_474 = vector.extract %slice3A_473[0] : i32 from vector<1xi32>
      %add3A_475 = arith.constant 15 : i32
      %add3A_476 = arith.addi %mul3A_115, %add3A_475 : i32
      %dma_start3A_477 = arith.constant 0 : i32
      %dma_start3A_478 = tpu.memref_slice %arg10[%add3A_476, %dma_start3A_477] : memref<256x64xf32, #tpu.memory_space<vmem>> -> memref<1x64xf32, #tpu.memory_space<vmem>>
      %dma_start3A_479 = arith.constant 0 : i32
      %dma_start3A_480 = tpu.memref_slice %arg4[%squeeze3A_474, %dma_start3A_479] : memref<1000000x64xf32, #tpu.memory_space<hbm>> -> memref<1x64xf32, #tpu.memory_space<hbm>>
      %dma_start3A_481 = arith.constant 0 : i32
      %dma_start3A_482 = tpu.memref_slice %arg10[%add3A_476, %dma_start3A_481] : memref<256x64xf32, #tpu.memory_space<vmem>> -> memref<1x64xf32, #tpu.memory_space<vmem>>
      %dma_start3A_483 = arith.constant 0 : i32
      %dma_start3A_484 = tpu.memref_slice %arg4[%squeeze3A_474, %dma_start3A_483] : memref<1000000x64xf32, #tpu.memory_space<hbm>> -> memref<1x64xf32, #tpu.memory_space<hbm>>
      tpu.enqueue_dma source(%dma_start3A_484 : memref<1x64xf32, #tpu.memory_space<hbm>>) target(%dma_start3A_482 : memref<1x64xf32, #tpu.memory_space<vmem>>) target_semaphore(%arg12 : memref<!tpu.dma_semaphore, #tpu.memory_space<semaphore_mem>>)
      %slice3A_485 = vector.extract_strided_slice %get3A_113 {offsets = [15], sizes = [1], strides = [1]} : vector<16xi32> to vector<1xi32>
      %squeeze3A_486 = vector.extract %slice3A_485[0] : i32 from vector<1xi32>
      %add3A_487 = arith.constant 15 : i32
      %add3A_488 = arith.addi %mul3A_115, %add3A_487 : i32
      %dma_start3A_489 = arith.constant 0 : i32
      %dma_start3A_490 = tpu.memref_slice %arg11[%add3A_488, %dma_start3A_489] : memref<256x64xf32, #tpu.memory_space<vmem>> -> memref<1x64xf32, #tpu.memory_space<vmem>>
      %dma_start3A_491 = arith.constant 0 : i32
      %dma_start3A_492 = tpu.memref_slice %arg5[%squeeze3A_486, %dma_start3A_491] : memref<100000x64xf32, #tpu.memory_space<hbm>> -> memref<1x64xf32, #tpu.memory_space<hbm>>
      %dma_start3A_493 = arith.constant 0 : i32
      %dma_start3A_494 = tpu.memref_slice %arg11[%add3A_488, %dma_start3A_493] : memref<256x64xf32, #tpu.memory_space<vmem>> -> memref<1x64xf32, #tpu.memory_space<vmem>>
      %dma_start3A_495 = arith.constant 0 : i32
      %dma_start3A_496 = tpu.memref_slice %arg5[%squeeze3A_486, %dma_start3A_495] : memref<100000x64xf32, #tpu.memory_space<hbm>> -> memref<1x64xf32, #tpu.memory_space<hbm>>
      tpu.enqueue_dma source(%dma_start3A_496 : memref<1x64xf32, #tpu.memory_space<hbm>>) target(%dma_start3A_494 : memref<1x64xf32, #tpu.memory_space<vmem>>) target_semaphore(%arg12 : memref<!tpu.dma_semaphore, #tpu.memory_space<semaphore_mem>>)
      %gt3A = arith.constant 0 : i32
      %gt3A_497 = arith.cmpi sgt, %scan3A_71, %gt3A : i32
      %convert_element_type3A = arith.extui %gt3A_497 : i1 to i32
      %cond3A = arith.constant 0 : i32
      %cond3A_498 = arith.cmpi ne, %convert_element_type3A, %cond3A : i32
      scf.if %cond3A_498 {
        %sub3A_500 = arith.constant 16 : i32
        %sub3A_501 = arith.subi %mul3A_115, %sub3A_500 : i32
        %dma_wait3A_502 = arith.constant 0 : i32
        %dma_wait3A_503 = tpu.memref_slice %arg10[%sub3A_501, %dma_wait3A_502] : memref<256x64xf32, #tpu.memory_space<vmem>> -> memref<16x64xf32, #tpu.memory_space<vmem>>
        %dma_wait3A_504 = arith.constant 0 : i32
        %dma_wait3A_505 = arith.constant 0 : i32
        %dma_wait3A_506 = tpu.memref_slice %arg4[%dma_wait3A_504, %dma_wait3A_505] : memref<1000000x64xf32, #tpu.memory_space<hbm>> -> memref<16x64xf32, #tpu.memory_space<hbm>>
        %dma_wait3A_507 = arith.constant 0 : i32
        %dma_wait3A_508 = tpu.memref_slice %arg10[%sub3A_501, %dma_wait3A_507] : memref<256x64xf32, #tpu.memory_space<vmem>> -> memref<16x64xf32, #tpu.memory_space<vmem>>
        %dma_wait3A_509 = arith.constant 0 : i32
        %dma_wait3A_510 = arith.constant 0 : i32
        %dma_wait3A_511 = tpu.memref_slice %arg4[%dma_wait3A_509, %dma_wait3A_510] : memref<1000000x64xf32, #tpu.memory_space<hbm>> -> memref<16x64xf32, #tpu.memory_space<hbm>>
        tpu.wait_dma2 semaphore(%arg12 : memref<!tpu.dma_semaphore, #tpu.memory_space<semaphore_mem>>) src(%dma_wait3A_511 : memref<16x64xf32, #tpu.memory_space<hbm>>) dst(%dma_wait3A_508 : memref<16x64xf32, #tpu.memory_space<vmem>>)
        %sub3A_512 = arith.constant 16 : i32
        %sub3A_513 = arith.subi %mul3A_115, %sub3A_512 : i32
        %dma_wait3A_514 = arith.constant 0 : i32
        %dma_wait3A_515 = tpu.memref_slice %arg11[%sub3A_513, %dma_wait3A_514] : memref<256x64xf32, #tpu.memory_space<vmem>> -> memref<16x64xf32, #tpu.memory_space<vmem>>
        %dma_wait3A_516 = arith.constant 0 : i32
        %dma_wait3A_517 = arith.constant 0 : i32
        %dma_wait3A_518 = tpu.memref_slice %arg5[%dma_wait3A_516, %dma_wait3A_517] : memref<100000x64xf32, #tpu.memory_space<hbm>> -> memref<16x64xf32, #tpu.memory_space<hbm>>
        %dma_wait3A_519 = arith.constant 0 : i32
        %dma_wait3A_520 = tpu.memref_slice %arg11[%sub3A_513, %dma_wait3A_519] : memref<256x64xf32, #tpu.memory_space<vmem>> -> memref<16x64xf32, #tpu.memory_space<vmem>>
        %dma_wait3A_521 = arith.constant 0 : i32
        %dma_wait3A_522 = arith.constant 0 : i32
        %dma_wait3A_523 = tpu.memref_slice %arg5[%dma_wait3A_521, %dma_wait3A_522] : memref<100000x64xf32, #tpu.memory_space<hbm>> -> memref<16x64xf32, #tpu.memory_space<hbm>>
        tpu.wait_dma2 semaphore(%arg12 : memref<!tpu.dma_semaphore, #tpu.memory_space<semaphore_mem>>) src(%dma_wait3A_523 : memref<16x64xf32, #tpu.memory_space<hbm>>) dst(%dma_wait3A_520 : memref<16x64xf32, #tpu.memory_space<vmem>>)
      } else {
      }
      %scan3A_499 = arith.constant 0 : i32
      scf.yield %scan3A_499 : i32
    }
    %scan3A_42 = arith.constant 16 : i32
    %dma_wait3A_43 = arith.constant 240 : i32
    %dma_wait3A_44 = arith.constant 0 : i32
    %dma_wait3A_45 = tpu.memref_slice %arg10[%dma_wait3A_43, %dma_wait3A_44] : memref<256x64xf32, #tpu.memory_space<vmem>> -> memref<16x64xf32, #tpu.memory_space<vmem>>
    %dma_wait3A_46 = arith.constant 0 : i32
    %dma_wait3A_47 = arith.constant 0 : i32
    %dma_wait3A_48 = tpu.memref_slice %arg4[%dma_wait3A_46, %dma_wait3A_47] : memref<1000000x64xf32, #tpu.memory_space<hbm>> -> memref<16x64xf32, #tpu.memory_space<hbm>>
    %dma_wait3A_49 = arith.constant 240 : i32
    %dma_wait3A_50 = arith.constant 0 : i32
    %dma_wait3A_51 = tpu.memref_slice %arg10[%dma_wait3A_49, %dma_wait3A_50] : memref<256x64xf32, #tpu.memory_space<vmem>> -> memref<16x64xf32, #tpu.memory_space<vmem>>
    %dma_wait3A_52 = arith.constant 0 : i32
    %dma_wait3A_53 = arith.constant 0 : i32
    %dma_wait3A_54 = tpu.memref_slice %arg4[%dma_wait3A_52, %dma_wait3A_53] : memref<1000000x64xf32, #tpu.memory_space<hbm>> -> memref<16x64xf32, #tpu.memory_space<hbm>>
    tpu.wait_dma2 semaphore(%arg12 : memref<!tpu.dma_semaphore, #tpu.memory_space<semaphore_mem>>) src(%dma_wait3A_54 : memref<16x64xf32, #tpu.memory_space<hbm>>) dst(%dma_wait3A_51 : memref<16x64xf32, #tpu.memory_space<vmem>>)
    %dma_wait3A_55 = arith.constant 240 : i32
    %dma_wait3A_56 = arith.constant 0 : i32
    %dma_wait3A_57 = tpu.memref_slice %arg11[%dma_wait3A_55, %dma_wait3A_56] : memref<256x64xf32, #tpu.memory_space<vmem>> -> memref<16x64xf32, #tpu.memory_space<vmem>>
    %dma_wait3A_58 = arith.constant 0 : i32
    %dma_wait3A_59 = arith.constant 0 : i32
    %dma_wait3A_60 = tpu.memref_slice %arg5[%dma_wait3A_58, %dma_wait3A_59] : memref<100000x64xf32, #tpu.memory_space<hbm>> -> memref<16x64xf32, #tpu.memory_space<hbm>>
    %dma_wait3A_61 = arith.constant 240 : i32
    %dma_wait3A_62 = arith.constant 0 : i32
    %dma_wait3A_63 = tpu.memref_slice %arg11[%dma_wait3A_61, %dma_wait3A_62] : memref<256x64xf32, #tpu.memory_space<vmem>> -> memref<16x64xf32, #tpu.memory_space<vmem>>
    %dma_wait3A_64 = arith.constant 0 : i32
    %dma_wait3A_65 = arith.constant 0 : i32
    %dma_wait3A_66 = tpu.memref_slice %arg5[%dma_wait3A_64, %dma_wait3A_65] : memref<100000x64xf32, #tpu.memory_space<hbm>> -> memref<16x64xf32, #tpu.memory_space<hbm>>
    tpu.wait_dma2 semaphore(%arg12 : memref<!tpu.dma_semaphore, #tpu.memory_space<semaphore_mem>>) src(%dma_wait3A_66 : memref<16x64xf32, #tpu.memory_space<hbm>>) dst(%dma_wait3A_63 : memref<16x64xf32, #tpu.memory_space<vmem>>)
    %mul3A_67 = arith.constant 512 : i32
    %mul3A_68 = arith.muli %add3A, %mul3A_67 : i32
    %add3A_69 = arith.constant 256 : i32
    %add3A_70 = arith.addi %mul3A_68, %add3A_69 : i32
    "tpu.region"() ({
      %run_scoped3A = tpu.sem_alloc : memref<!tpu.dma_semaphore, #tpu.memory_space<semaphore_mem>>
      %dma_start3A = arith.constant 0 : i32
      %dma_start3A_71 = tpu.memref_slice %arg6[%add3A_70, %dma_start3A] : memref<16384x64xf32, #tpu.memory_space<hbm>> -> memref<256x64xf32, #tpu.memory_space<hbm>>
      %dma_start3A_72 = arith.constant 0 : i32
      %dma_start3A_73 = tpu.memref_slice %arg6[%add3A_70, %dma_start3A_72] : memref<16384x64xf32, #tpu.memory_space<hbm>> -> memref<256x64xf32, #tpu.memory_space<hbm>>
      tpu.enqueue_dma source(%arg10 : memref<256x64xf32, #tpu.memory_space<vmem>>) target(%dma_start3A_73 : memref<256x64xf32, #tpu.memory_space<hbm>>) target_semaphore(%run_scoped3A : memref<!tpu.dma_semaphore, #tpu.memory_space<semaphore_mem>>)
      %dma_wait3A_74 = arith.constant 0 : i32
      %dma_wait3A_75 = tpu.memref_slice %arg6[%add3A_70, %dma_wait3A_74] : memref<16384x64xf32, #tpu.memory_space<hbm>> -> memref<256x64xf32, #tpu.memory_space<hbm>>
      %dma_wait3A_76 = arith.constant 0 : i32
      %dma_wait3A_77 = tpu.memref_slice %arg6[%add3A_70, %dma_wait3A_76] : memref<16384x64xf32, #tpu.memory_space<hbm>> -> memref<256x64xf32, #tpu.memory_space<hbm>>
      tpu.wait_dma2 semaphore(%run_scoped3A : memref<!tpu.dma_semaphore, #tpu.memory_space<semaphore_mem>>) src(%arg10 : memref<256x64xf32, #tpu.memory_space<vmem>>) dst(%dma_wait3A_77 : memref<256x64xf32, #tpu.memory_space<hbm>>)
      tpu.yield
    }) : () -> ()
    "tpu.region"() ({
      %run_scoped3A = tpu.sem_alloc : memref<!tpu.dma_semaphore, #tpu.memory_space<semaphore_mem>>
      %dma_start3A = arith.constant 0 : i32
      %dma_start3A_71 = tpu.memref_slice %arg7[%add3A_70, %dma_start3A] : memref<16384x64xf32, #tpu.memory_space<hbm>> -> memref<256x64xf32, #tpu.memory_space<hbm>>
      %dma_start3A_72 = arith.constant 0 : i32
      %dma_start3A_73 = tpu.memref_slice %arg7[%add3A_70, %dma_start3A_72] : memref<16384x64xf32, #tpu.memory_space<hbm>> -> memref<256x64xf32, #tpu.memory_space<hbm>>
      tpu.enqueue_dma source(%arg11 : memref<256x64xf32, #tpu.memory_space<vmem>>) target(%dma_start3A_73 : memref<256x64xf32, #tpu.memory_space<hbm>>) target_semaphore(%run_scoped3A : memref<!tpu.dma_semaphore, #tpu.memory_space<semaphore_mem>>)
      %dma_wait3A_74 = arith.constant 0 : i32
      %dma_wait3A_75 = tpu.memref_slice %arg7[%add3A_70, %dma_wait3A_74] : memref<16384x64xf32, #tpu.memory_space<hbm>> -> memref<256x64xf32, #tpu.memory_space<hbm>>
      %dma_wait3A_76 = arith.constant 0 : i32
      %dma_wait3A_77 = tpu.memref_slice %arg7[%add3A_70, %dma_wait3A_76] : memref<16384x64xf32, #tpu.memory_space<hbm>> -> memref<256x64xf32, #tpu.memory_space<hbm>>
      tpu.wait_dma2 semaphore(%run_scoped3A : memref<!tpu.dma_semaphore, #tpu.memory_space<semaphore_mem>>) src(%arg11 : memref<256x64xf32, #tpu.memory_space<vmem>>) dst(%dma_wait3A_77 : memref<256x64xf32, #tpu.memory_space<hbm>>)
      tpu.yield
    }) : () -> ()
    return
  }
}

module attributes {stable_mosaic.version = 14 : i64} {
  func.func @_mlp_body(%arg0: i32, %arg1: memref<2048x64xf32, #tpu.memory_space<vmem>>, %arg2: memref<2048x64xf32, #tpu.memory_space<vmem>>, %arg3: memref<2048x1xf32, #tpu.memory_space<vmem>>, %arg4: memref<2048x1xi32, #tpu.memory_space<vmem>>, %arg5: memref<2048x1xi32, #tpu.memory_space<vmem>>, %arg6: memref<3x8xf32, #tpu.memory_space<vmem>>, %arg7: memref<64x16xf32, #tpu.memory_space<vmem>>, %arg8: memref<64x128xf32, #tpu.memory_space<vmem>>, %arg9: memref<64x128xf32, #tpu.memory_space<vmem>>, %arg10: memref<1x128xf32, #tpu.memory_space<vmem>>, %arg11: memref<8x128xf32, #tpu.memory_space<vmem>>, %arg12: memref<16x128xf32, #tpu.memory_space<vmem>>, %arg13: memref<1x128xf32, #tpu.memory_space<vmem>>, %arg14: memref<128x64xf32, #tpu.memory_space<vmem>>, %arg15: memref<1x64xf32, #tpu.memory_space<vmem>>, %arg16: memref<64x1xf32, #tpu.memory_space<vmem>>, %arg17: memref<1x1xf32, #tpu.memory_space<vmem>>, %arg18: memref<2048x1xf32, #tpu.memory_space<vmem>>) attributes {dimension_semantics = [#tpu.dimension_semantics<arbitrary>], iteration_bounds = array<i64: 8>, scalar_prefetch = 0 : i64, scratch_operands = 0 : i64, tpu.core_type = #tpu.core_type<tc>, window_params = [{transform_indices = @transform_0, window_bounds = array<i64: 2048, 64>}, {transform_indices = @transform_1, window_bounds = array<i64: 2048, 64>}, {transform_indices = @transform_2, window_bounds = array<i64: 2048, 1>}, {transform_indices = @transform_3, window_bounds = array<i64: 2048, 1>}, {transform_indices = @transform_4, window_bounds = array<i64: 2048, 1>}, {pipeline_mode = #tpu.pipeline_mode<synchronous>, transform_indices = @transform_5, window_bounds = array<i64: 3, 8>}, {pipeline_mode = #tpu.pipeline_mode<synchronous>, transform_indices = @transform_6, window_bounds = array<i64: 64, 16>}, {pipeline_mode = #tpu.pipeline_mode<synchronous>, transform_indices = @transform_7, window_bounds = array<i64: 64, 128>}, {pipeline_mode = #tpu.pipeline_mode<synchronous>, transform_indices = @transform_8, window_bounds = array<i64: 64, 128>}, {pipeline_mode = #tpu.pipeline_mode<synchronous>, transform_indices = @transform_9, window_bounds = array<i64: 1, 128>}, {pipeline_mode = #tpu.pipeline_mode<synchronous>, transform_indices = @transform_10, window_bounds = array<i64: 8, 128>}, {pipeline_mode = #tpu.pipeline_mode<synchronous>, transform_indices = @transform_11, window_bounds = array<i64: 16, 128>}, {pipeline_mode = #tpu.pipeline_mode<synchronous>, transform_indices = @transform_12, window_bounds = array<i64: 1, 128>}, {pipeline_mode = #tpu.pipeline_mode<synchronous>, transform_indices = @transform_13, window_bounds = array<i64: 128, 64>}, {pipeline_mode = #tpu.pipeline_mode<synchronous>, transform_indices = @transform_14, window_bounds = array<i64: 1, 64>}, {pipeline_mode = #tpu.pipeline_mode<synchronous>, transform_indices = @transform_15, window_bounds = array<i64: 64, 1>}, {pipeline_mode = #tpu.pipeline_mode<synchronous>, transform_indices = @transform_16, window_bounds = array<i64: 1, 1>}, {transform_indices = @transform_17, window_bounds = array<i64: 2048, 1>}]} {
    %get3A = arith.constant 0 : index
    %get3A_0 = arith.constant 0 : index
    %get3A_1 = vector.load %arg1[%get3A, %get3A_0] : memref<2048x64xf32, #tpu.memory_space<vmem>>, vector<2048x64xf32>
    %get3A_2 = arith.constant 0 : index
    %get3A_3 = arith.constant 0 : index
    %get3A_4 = vector.load %arg8[%get3A_2, %get3A_3] : memref<64x128xf32, #tpu.memory_space<vmem>>, vector<64x128xf32>
    %dot_general3A = arith.constant dense<0.000000e+00> : vector<2048x128xf32>
    %dot_general3A_5 = tpu.matmul %get3A_1, %get3A_4, %dot_general3A {dimension_numbers = #tpu.dot_dimension_numbers<[1], [0], [0], [1], [0, 0, 1, 1], [], []>, transpose_lhs_hint = false} : vector<2048x64xf32>, vector<64x128xf32>, vector<2048x128xf32> -> vector<2048x128xf32>
    %get3A_6 = arith.constant 0 : index
    %get3A_7 = arith.constant 0 : index
    %get3A_8 = vector.load %arg2[%get3A_6, %get3A_7] : memref<2048x64xf32, #tpu.memory_space<vmem>>, vector<2048x64xf32>
    %get3A_9 = arith.constant 0 : index
    %get3A_10 = arith.constant 0 : index
    %get3A_11 = vector.load %arg9[%get3A_9, %get3A_10] : memref<64x128xf32, #tpu.memory_space<vmem>>, vector<64x128xf32>
    %dot_general3A_12 = arith.constant dense<0.000000e+00> : vector<2048x128xf32>
    %dot_general3A_13 = tpu.matmul %get3A_8, %get3A_11, %dot_general3A_12 {dimension_numbers = #tpu.dot_dimension_numbers<[1], [0], [0], [1], [0, 0, 1, 1], [], []>, transpose_lhs_hint = false} : vector<2048x64xf32>, vector<64x128xf32>, vector<2048x128xf32> -> vector<2048x128xf32>
    %add3A = arith.addf %dot_general3A_5, %dot_general3A_13 : vector<2048x128xf32>
    %get3A_14 = arith.constant 0 : index
    %get3A_15 = arith.constant 0 : index
    %get3A_16 = vector.load %arg3[%get3A_14, %get3A_15] : memref<2048x1xf32, #tpu.memory_space<vmem>>, vector<2048x1xf32>
    %get3A_17 = arith.constant 0 : index
    %get3A_18 = arith.constant 0 : index
    %get3A_19 = vector.load %arg10[%get3A_17, %get3A_18] : memref<1x128xf32, #tpu.memory_space<vmem>>, vector<1x128xf32>
    %mul3A = vector.broadcast %get3A_16 : vector<2048x1xf32> to vector<2048x128xf32>
    %mul3A_20 = vector.broadcast %get3A_19 : vector<1x128xf32> to vector<2048x128xf32>
    %mul3A_21 = arith.mulf %mul3A, %mul3A_20 : vector<2048x128xf32>
    %add3A_22 = arith.addf %add3A, %mul3A_21 : vector<2048x128xf32>
    %get3A_23 = arith.constant 0 : index
    %get3A_24 = arith.constant 0 : index
    %get3A_25 = vector.load %arg4[%get3A_23, %get3A_24] : memref<2048x1xi32, #tpu.memory_space<vmem>>, vector<2048x1xi32>
    %iota3A = tpu.iota {dimensions = array<i32: 1>} : vector<2048x3xi32>
    %eq3A = vector.broadcast %get3A_25 : vector<2048x1xi32> to vector<2048x3xi32>
    %eq3A_26 = arith.cmpi eq, %eq3A, %iota3A : vector<2048x3xi32>
    %convert_element_type3A = arith.extui %eq3A_26 : vector<2048x3xi1> to vector<2048x3xi32>
    %convert_element_type3A_27 = arith.sitofp %convert_element_type3A : vector<2048x3xi32> to vector<2048x3xf32>
    %get3A_28 = arith.constant 0 : index
    %get3A_29 = arith.constant 0 : index
    %get3A_30 = vector.load %arg6[%get3A_28, %get3A_29] : memref<3x8xf32, #tpu.memory_space<vmem>>, vector<3x8xf32>
    %get3A_31 = arith.constant 0 : index
    %get3A_32 = arith.constant 0 : index
    %get3A_33 = vector.load %arg11[%get3A_31, %get3A_32] : memref<8x128xf32, #tpu.memory_space<vmem>>, vector<8x128xf32>
    %dot_general3A_34 = arith.constant dense<0.000000e+00> : vector<3x128xf32>
    %dot_general3A_35 = tpu.matmul %get3A_30, %get3A_33, %dot_general3A_34 {dimension_numbers = #tpu.dot_dimension_numbers<[1], [0], [0], [1], [0, 0, 1, 1], [], []>, transpose_lhs_hint = false} : vector<3x8xf32>, vector<8x128xf32>, vector<3x128xf32> -> vector<3x128xf32>
    %dot_general3A_36 = arith.constant dense<0.000000e+00> : vector<2048x128xf32>
    %dot_general3A_37 = tpu.matmul %convert_element_type3A_27, %dot_general3A_35, %dot_general3A_36 {dimension_numbers = #tpu.dot_dimension_numbers<[1], [0], [0], [1], [0, 0, 1, 1], [], []>, transpose_lhs_hint = false} : vector<2048x3xf32>, vector<3x128xf32>, vector<2048x128xf32> -> vector<2048x128xf32>
    %add3A_38 = arith.addf %add3A_22, %dot_general3A_37 : vector<2048x128xf32>
    %get3A_39 = arith.constant 0 : index
    %get3A_40 = arith.constant 0 : index
    %get3A_41 = vector.load %arg5[%get3A_39, %get3A_40] : memref<2048x1xi32, #tpu.memory_space<vmem>>, vector<2048x1xi32>
    %iota3A_42 = tpu.iota {dimensions = array<i32: 1>} : vector<2048x64xi32>
    %eq3A_43 = vector.broadcast %get3A_41 : vector<2048x1xi32> to vector<2048x64xi32>
    %eq3A_44 = arith.cmpi eq, %eq3A_43, %iota3A_42 : vector<2048x64xi32>
    %convert_element_type3A_45 = arith.extui %eq3A_44 : vector<2048x64xi1> to vector<2048x64xi32>
    %convert_element_type3A_46 = arith.sitofp %convert_element_type3A_45 : vector<2048x64xi32> to vector<2048x64xf32>
    %get3A_47 = arith.constant 0 : index
    %get3A_48 = arith.constant 0 : index
    %get3A_49 = vector.load %arg7[%get3A_47, %get3A_48] : memref<64x16xf32, #tpu.memory_space<vmem>>, vector<64x16xf32>
    %get3A_50 = arith.constant 0 : index
    %get3A_51 = arith.constant 0 : index
    %get3A_52 = vector.load %arg12[%get3A_50, %get3A_51] : memref<16x128xf32, #tpu.memory_space<vmem>>, vector<16x128xf32>
    %dot_general3A_53 = arith.constant dense<0.000000e+00> : vector<64x128xf32>
    %dot_general3A_54 = tpu.matmul %get3A_49, %get3A_52, %dot_general3A_53 {dimension_numbers = #tpu.dot_dimension_numbers<[1], [0], [0], [1], [0, 0, 1, 1], [], []>, transpose_lhs_hint = false} : vector<64x16xf32>, vector<16x128xf32>, vector<64x128xf32> -> vector<64x128xf32>
    %dot_general3A_55 = arith.constant dense<0.000000e+00> : vector<2048x128xf32>
    %dot_general3A_56 = tpu.matmul %convert_element_type3A_46, %dot_general3A_54, %dot_general3A_55 {dimension_numbers = #tpu.dot_dimension_numbers<[1], [0], [0], [1], [0, 0, 1, 1], [], []>, transpose_lhs_hint = false} : vector<2048x64xf32>, vector<64x128xf32>, vector<2048x128xf32> -> vector<2048x128xf32>
    %add3A_57 = arith.addf %add3A_38, %dot_general3A_56 : vector<2048x128xf32>
    %get3A_58 = arith.constant 0 : index
    %get3A_59 = arith.constant 0 : index
    %get3A_60 = vector.load %arg13[%get3A_58, %get3A_59] : memref<1x128xf32, #tpu.memory_space<vmem>>, vector<1x128xf32>
    %add3A_61 = vector.broadcast %get3A_60 : vector<1x128xf32> to vector<2048x128xf32>
    %add3A_62 = arith.addf %add3A_57, %add3A_61 : vector<2048x128xf32>
    %max3A = arith.constant 0.000000e+00 : f32
    %max3A_63 = vector.broadcast %max3A : f32 to vector<2048x128xf32>
    %max3A_64 = arith.maximumf %add3A_62, %max3A_63 : vector<2048x128xf32>
    %get3A_65 = arith.constant 0 : index
    %get3A_66 = arith.constant 0 : index
    %get3A_67 = vector.load %arg14[%get3A_65, %get3A_66] : memref<128x64xf32, #tpu.memory_space<vmem>>, vector<128x64xf32>
    %dot_general3A_68 = arith.constant dense<0.000000e+00> : vector<2048x64xf32>
    %dot_general3A_69 = tpu.matmul %max3A_64, %get3A_67, %dot_general3A_68 {dimension_numbers = #tpu.dot_dimension_numbers<[1], [0], [0], [1], [0, 0, 1, 1], [], []>, transpose_lhs_hint = false} : vector<2048x128xf32>, vector<128x64xf32>, vector<2048x64xf32> -> vector<2048x64xf32>
    %get3A_70 = arith.constant 0 : index
    %get3A_71 = arith.constant 0 : index
    %get3A_72 = vector.load %arg15[%get3A_70, %get3A_71] : memref<1x64xf32, #tpu.memory_space<vmem>>, vector<1x64xf32>
    %add3A_73 = vector.broadcast %get3A_72 : vector<1x64xf32> to vector<2048x64xf32>
    %add3A_74 = arith.addf %dot_general3A_69, %add3A_73 : vector<2048x64xf32>
    %max3A_75 = arith.constant 0.000000e+00 : f32
    %max3A_76 = vector.broadcast %max3A_75 : f32 to vector<2048x64xf32>
    %max3A_77 = arith.maximumf %add3A_74, %max3A_76 : vector<2048x64xf32>
    %get3A_78 = arith.constant 0 : index
    %get3A_79 = arith.constant 0 : index
    %get3A_80 = vector.load %arg16[%get3A_78, %get3A_79] : memref<64x1xf32, #tpu.memory_space<vmem>>, vector<64x1xf32>
    %dot_general3A_81 = arith.constant dense<0.000000e+00> : vector<2048x1xf32>
    %dot_general3A_82 = tpu.matmul %max3A_77, %get3A_80, %dot_general3A_81 {dimension_numbers = #tpu.dot_dimension_numbers<[1], [0], [0], [1], [0, 0, 1, 1], [], []>, transpose_lhs_hint = false} : vector<2048x64xf32>, vector<64x1xf32>, vector<2048x1xf32> -> vector<2048x1xf32>
    %get3A_83 = arith.constant 0 : index
    %get3A_84 = arith.constant 0 : index
    %get3A_85 = vector.load %arg17[%get3A_83, %get3A_84] : memref<1x1xf32, #tpu.memory_space<vmem>>, vector<1x1xf32>
    %add3A_86 = vector.broadcast %get3A_85 : vector<1x1xf32> to vector<2048x1xf32>
    %add3A_87 = arith.addf %dot_general3A_82, %add3A_86 : vector<2048x1xf32>
    %logistic3A = arith.negf %add3A_87 : vector<2048x1xf32>
    %logistic3A_88 = math.exp %logistic3A : vector<2048x1xf32>
    %logistic3A_89 = arith.constant 1.000000e+00 : f32
    %logistic3A_90 = vector.broadcast %logistic3A_89 : f32 to vector<2048x1xf32>
    %logistic3A_91 = arith.addf %logistic3A_90, %logistic3A_88 : vector<2048x1xf32>
    %logistic3A_92 = arith.divf %logistic3A_90, %logistic3A_91 : vector<2048x1xf32>
    %swap3A = arith.constant 0 : index
    %swap3A_93 = arith.constant 0 : index
    %swap3A_94 = vector.load %arg18[%swap3A, %swap3A_93] : memref<2048x1xf32, #tpu.memory_space<vmem>>, vector<2048x1xf32>
    tpu.vector_store %arg18[%swap3A, %swap3A_93], %logistic3A_92 {strides = array<i32>} : memref<2048x1xf32, #tpu.memory_space<vmem>>, vector<2048x1xf32>,
    return
  }
  func.func @transform_0(%arg0: i32) -> (i32, i32) {
    %c0_i32 = arith.constant 0 : i32
    %c0_i32_0 = arith.constant 0 : i32
    return %arg0, %c0_i32 : i32, i32
  }
  func.func @transform_1(%arg0: i32) -> (i32, i32) {
    %c0_i32 = arith.constant 0 : i32
    %c0_i32_0 = arith.constant 0 : i32
    return %arg0, %c0_i32 : i32, i32
  }
  func.func @transform_2(%arg0: i32) -> (i32, i32) {
    %c0_i32 = arith.constant 0 : i32
    %c0_i32_0 = arith.constant 0 : i32
    return %arg0, %c0_i32 : i32, i32
  }
  func.func @transform_3(%arg0: i32) -> (i32, i32) {
    %c0_i32 = arith.constant 0 : i32
    %c0_i32_0 = arith.constant 0 : i32
    return %arg0, %c0_i32 : i32, i32
  }
  func.func @transform_4(%arg0: i32) -> (i32, i32) {
    %c0_i32 = arith.constant 0 : i32
    %c0_i32_0 = arith.constant 0 : i32
    return %arg0, %c0_i32 : i32, i32
  }
  func.func @transform_5(%arg0: i32) -> (i32, i32) {
    %c0_i32 = arith.constant 0 : i32
    %c0_i32_0 = arith.constant 0 : i32
    %c0_i32_1 = arith.constant 0 : i32
    return %c0_i32, %c0_i32_0 : i32, i32
  }
  func.func @transform_6(%arg0: i32) -> (i32, i32) {
    %c0_i32 = arith.constant 0 : i32
    %c0_i32_0 = arith.constant 0 : i32
    %c0_i32_1 = arith.constant 0 : i32
    return %c0_i32, %c0_i32_0 : i32, i32
  }
  func.func @transform_7(%arg0: i32) -> (i32, i32) {
    %c0_i32 = arith.constant 0 : i32
    %c0_i32_0 = arith.constant 0 : i32
    %c0_i32_1 = arith.constant 0 : i32
    return %c0_i32, %c0_i32_0 : i32, i32
  }
  func.func @transform_8(%arg0: i32) -> (i32, i32) {
    %c0_i32 = arith.constant 0 : i32
    %c0_i32_0 = arith.constant 0 : i32
    %c0_i32_1 = arith.constant 0 : i32
    return %c0_i32, %c0_i32_0 : i32, i32
  }
  func.func @transform_9(%arg0: i32) -> (i32, i32) {
    %c0_i32 = arith.constant 0 : i32
    %c0_i32_0 = arith.constant 0 : i32
    %c0_i32_1 = arith.constant 0 : i32
    return %c0_i32, %c0_i32_0 : i32, i32
  }
  func.func @transform_10(%arg0: i32) -> (i32, i32) {
    %c0_i32 = arith.constant 0 : i32
    %c0_i32_0 = arith.constant 0 : i32
    %c0_i32_1 = arith.constant 0 : i32
    return %c0_i32, %c0_i32_0 : i32, i32
  }
  func.func @transform_11(%arg0: i32) -> (i32, i32) {
    %c0_i32 = arith.constant 0 : i32
    %c0_i32_0 = arith.constant 0 : i32
    %c0_i32_1 = arith.constant 0 : i32
    return %c0_i32, %c0_i32_0 : i32, i32
  }
  func.func @transform_12(%arg0: i32) -> (i32, i32) {
    %c0_i32 = arith.constant 0 : i32
    %c0_i32_0 = arith.constant 0 : i32
    %c0_i32_1 = arith.constant 0 : i32
    return %c0_i32, %c0_i32_0 : i32, i32
  }
  func.func @transform_13(%arg0: i32) -> (i32, i32) {
    %c0_i32 = arith.constant 0 : i32
    %c0_i32_0 = arith.constant 0 : i32
    %c0_i32_1 = arith.constant 0 : i32
    return %c0_i32, %c0_i32_0 : i32, i32
  }
  func.func @transform_14(%arg0: i32) -> (i32, i32) {
    %c0_i32 = arith.constant 0 : i32
    %c0_i32_0 = arith.constant 0 : i32
    %c0_i32_1 = arith.constant 0 : i32
    return %c0_i32, %c0_i32_0 : i32, i32
  }
  func.func @transform_15(%arg0: i32) -> (i32, i32) {
    %c0_i32 = arith.constant 0 : i32
    %c0_i32_0 = arith.constant 0 : i32
    %c0_i32_1 = arith.constant 0 : i32
    return %c0_i32, %c0_i32_0 : i32, i32
  }
  func.func @transform_16(%arg0: i32) -> (i32, i32) {
    %c0_i32 = arith.constant 0 : i32
    %c0_i32_0 = arith.constant 0 : i32
    %c0_i32_1 = arith.constant 0 : i32
    return %c0_i32, %c0_i32_0 : i32, i32
  }
  func.func @transform_17(%arg0: i32) -> (i32, i32) {
    %c0_i32 = arith.constant 0 : i32
    %c0_i32_0 = arith.constant 0 : i32
    return %arg0, %c0_i32 : i32, i32
  }
}

</mosaic_0001>

<sc_bundles>
// kernel: kernel.4.cloned.1.call-start
scs
__scs_entry_jumppad:
0x0: {  	(pc) =	sbr.rel $0x88, $3  }
0x1: {  	(tag) =	ssettag $0x0;
	lr =	simm.s32 $0x1  }
0x2: {  	[smem:$0x3F92] =	sst lr;
	_ =	strace $0xD0000000  }
0x3: {  	_ = 	snop  }
0x4: {  	_ = 	snop  }
0x5: {  	_ = 	snop  }
0x6: {  	_ = 	snop  }
0x7: {  	_ = 	snop  }
__scs_overlays_trampoline_lowered:
0x8: {  	[smem:$0x3FA1] =	sst s0  }
0x9: {  	[smem:$0x3FA2] =	sst s1  }
0xa: {  	[smem:$0x3FA3] =	sst s2  }
0xb: {  	[smem:$0x3FA4] =	sst s3  }
0xc: {  	[smem:$0x3FA5] =	sst s4  }
0xd: {  	[smem:$0x3FA6] =	sst s5  }
0xe: {  	[smem:$0x3FA7] =	sst s6  }
0xf: {  	[smem:$0x3FA8] =	sst s7  }
0x10: {  	[smem:$0x3FA9] =	sst s8  }
0x11: {  	[smem:$0x3FAA] =	sst s9;
	s0 =	simm.s32 @!p0 $0x0  }
0x12: {  	s1 =	sld [smem:$0x3F90];
	s0 =	simm.s32 @p0 $0x1  }
0x13: {  	[smem:$0x3FAB] =	sst s0;
	s0 =	simm.s32 @!p1 $0x0  }
0x14: {  	s2 =	sld [smem:$0x3F8F];
	s0 =	simm.s32 @p1 $0x1  }
0x15: {  	[smem:$0x3FAC] =	sst s0;
	s0 =	simm.s32 @!p2 $0x0  }
0x16: {  	s3 =	sld [smem:$0x3FDB];
	s0 =	simm.s32 @p2 $0x1  }
0x17: {  	s4 =	simm.s32 $0x1BF5;
	[smem:$0x3FAE] =	sst s0  }
0x18: {  	s0 =	sld [smem:$0x3F91];
	_ =	swait.ge [sflag:s4], $0x0  }
0x19: {  	s7 =	sld [smem:$0x3F92]  }
0x1a: {  	s8 =	sadd.s32 $0xFFFFE003, lr  }
0x1b: {  	s9 =	sadd.s32 $0xFFFFFEF7, lr;
	s5 =	simm.s32 $0xFFFFFFFF;
	p2 =	slt.u32 s8, $0xFFFFF086  }
0x1c: {  	p1 =	slt.u32 s9, $0xF7A;
	s5 =	simm.s32 @!p2 $0x0  }
0x1d: {  	s5 =	simm.s32 @p1 $0x1;
	p0 =	seq.s32 s7, s2  }
0x1e: {  	s7 =	smul.u32 @!p0 $0xF7A, s2;
	p2 =	seq.s32 @!p0 s5, $0x0  }
0x1f: {  	s9 =	smul.u32 $0xF7A, s1;
	s8 =	simm.s32 @!p0 $0x1BF5;
	p2 =	por !p2, p0  }
0x20: {  	[sflag:s8] =	ssyncset.s32 @!p0 $0xFFFFF086;
	s6 =	sadd.s32 @!p0 s3, s7;
	s7 =	simm.s32 @!p0 $0x108  }
0x21: {  	s3 =	sadd.s32 s3, s9;
	s6 =	sadd.s32 @!p0 $0x88, s6;
	s7 =	simm.s32 @p2 $0x1082  }
0x22: {  	[simem:s7], [sflag:s8] =	dma.local @!p0 [hbm:s6], $0xF7A  }
0x23: {  	s9 =	sor.u32 $0xD0000000, s2;
	s6 =	simm.s32 $0x108;
	_ =	swait.ge @!p0 [sflag:s8], $0x0  }
0x24: {  	s3 =	sadd.s32 $0x88, s3;
	s6 =	simm.s32 @!p1 $0x1082;
	[sflag:s4] =	ssyncset.s32 $0xFFFFF086  }
0x25: {  	[simem:s6], [sflag:s4] =	dma.local [hbm:s3], $0xF7A  }
0x26: {  	[smem:$0x3F92] =	sst s1;
	(tag) =	ssettag s2;
	_ =	strace s9  }
0x27: {  	s1 =	sld [smem:$0x3FA2]  }
0x28: {  	s2 =	sld [smem:$0x3FA3]  }
0x29: {  	s4 =	sld [smem:$0x3FA5]  }
0x2a: {  	p0 =	seq.s32 s5, $0x0;
	s5 =	sld [smem:$0x3FA6]  }
0x2b: {  	s6 =	sld [smem:$0x3FA7]  }
0x2c: {  	s7 =	sld [smem:$0x3FA8]  }
0x2d: {  	s3 =	simm.s32 $0x108;
	s8 =	sld [smem:$0x3FA9]  }
0x2e: {  	s3 =	simm.s32 @!p0 $0x1082;
	s9 =	sld [smem:$0x3FAA]  }
0x2f: {  	lr =	sadd.s32 s0, s3;
	s0 =	sld [smem:$0x3FA1]  }
0x30: {  	s3 =	sld [smem:$0x3FA4]  }
0x31: {  	[smem:$0x3FAD] =	sst s10  }
0x32: {  	s10 =	sld [smem:$0x3FAB];
	_ =	sdelay $0x3  }
0x33: {  	p0 =	seq.s32 s10, $0x1;
	s10 =	sld [smem:$0x3FAD];
	_ =	sdelay $0x3  }
0x34: {  	[smem:$0x3FAD] =	sst s10  }
0x35: {  	s10 =	sld [smem:$0x3FAC];
	_ =	sdelay $0x3  }
0x36: {  	p1 =	seq.s32 s10, $0x1;
	s10 =	sld [smem:$0x3FAD];
	_ =	sdelay $0x3  }
0x37: {  	[smem:$0x3FAD] =	sst s10  }
0x38: {  	s10 =	sld [smem:$0x3FAE]  }
0x39: {  	_ = 	snop;
	(pc) =	sbr.ind lr, $3  }
0x3a: {  	_ = 	snop  }
0x3b: {  	_ = 	snop  }
0x3c: {  	p2 =	seq.s32 s10, $0x1;
	s10 =	sld [smem:$0x3FAD]  }
0x3d: {  	_ =	shalt  }
0x3e: {  	_ =	shalt  }
0x3f: {  	_ =	shalt  }
0x40: {  	_ =	shalt  }
0x41: {  	_ =	shalt  }
0x42: {  	_ =	shalt  }
0x43: {  	_ =	shalt  }
0x44: {  	_ =	shalt  }
0x45: {  	_ =	shalt  }
0x46: {  	_ =	shalt  }
0x47: {  	_ =	shalt  }
0x48: {  	_ =	shalt  }
0x49: {  	_ =	shalt  }
0x4a: {  	_ =	shalt  }
0x4b: {  	_ =	shalt  }
0x4c: {  	_ =	shalt  }
0x4d: {  	_ =	shalt  }
0x4e: {  	_ =	shalt  }
0x4f: {  	_ =	shalt  }
0x50: {  	_ =	shalt  }
0x51: {  	_ =	shalt  }
0x52: {  	_ =	shalt  }
0x53: {  	_ =	shalt  }
0x54: {  	_ =	shalt  }
0x55: {  	_ =	shalt  }
0x56: {  	_ =	shalt  }
0x57: {  	_ =	shalt  }
0x58: {  	_ =	shalt  }
0x59: {  	_ =	shalt  }
0x5a: {  	_ =	shalt  }
0x5b: {  	_ =	shalt  }
0x5c: {  	_ =	shalt  }
0x5d: {  	_ =	shalt  }
0x5e: {  	_ =	shalt  }
0x5f: {  	_ =	shalt  }
0x60: {  	_ =	shalt  }
0x61: {  	_ =	shalt  }
0x62: {  	_ =	shalt  }
0x63: {  	_ =	shalt  }
0x64: {  	_ =	shalt  }
0x65: {  	_ =	shalt  }
0x66: {  	_ =	shalt  }
0x67: {  	_ =	shalt  }
0x68: {  	_ =	shalt  }
0x69: {  	_ =	shalt  }
0x6a: {  	_ =	shalt  }
0x6b: {  	_ =	shalt  }
0x6c: {  	_ =	shalt  }
0x6d: {  	_ =	shalt  }
0x6e: {  	_ =	shalt  }
0x6f: {  	_ =	shalt  }
0x70: {  	_ =	shalt  }
0x71: {  	_ =	shalt  }
0x72: {  	_ =	shalt  }
0x73: {  	_ =	shalt  }
0x74: {  	_ =	shalt  }
0x75: {  	_ =	shalt  }
0x76: {  	_ =	shalt  }
0x77: {  	_ =	shalt  }
0x78: {  	_ =	shalt  }
0x79: {  	_ =	shalt  }
0x7a: {  	_ =	shalt  }
0x7b: {  	_ =	shalt  }
0x7c: {  	_ =	shalt  }
0x7d: {  	_ =	shalt  }
0x7e: {  	_ =	shalt  }
0x7f: {  	_ =	shalt  }
0x80: {  	_ =	shalt  }
0x81: {  	_ =	shalt  }
0x82: {  	_ =	shalt  }
0x83: {  	_ =	shalt  }
0x84: {  	_ =	shalt  }
0x85: {  	_ =	shalt  }
0x86: {  	_ =	shalt  }
0x87: {  	_ =	shalt  }
.Lfunc_end0:
.L_simem_size_0:
called_computation_lowered:
.L_overlay_start_0:
0x88: {  	s2 =	sld [smem:$0x3FD9]  }
0x89: {  	s3 =	sld [smem:$0x3FFE];
	_ =	sdelay $0x1  }
0x8a: {  	s1 =	srdreg.scid  }
0x8b: {  	s0 =	sand.u32 $0x1, s1  }
0x8c: {  	s17 =	sshll.u32 s0, $0xA;
	s2 =	sadd.s32 s3, s2  }
0x8d: {  	s2 =	sadd.s32 s2, s17  }
0x8e: {  	[smem:$0x3FB9] =	sst s2  }
0x8f: {  	_ = 	snop  }
0x90: {  	s2 =	sld [smem:$0x3FC9]  }
0x91: {  	s18 =	sld [smem:$0x3FC8];
	(tm) =	ssettm $0x1  }
0x92: {  	s4 =	sld [smem:$0x3FFB];
	_ =	sdelay $0x3  }
0x93: {  	_ =	strace s4  }
0x94: {  	s4 =	sld [smem:$0x3FFC];
	_ =	sdelay $0x3  }
0x95: {  	_ =	strace s4  }
0x96: {  	s4 =	sld [smem:$0x3FFD];
	_ =	sdelay $0x3  }
0x97: {  	_ =	strace s4  }
0x98: {  	_ =	strace $0x8FFFFFFF  }
0x99: {  	s19 =	sld [smem:$0x3FDB];
	_ =	sdelay $0x1  }
0x9a: {  	s5 =	simm.s32 $_scs_section_size  }
0x9b: {  	s6 =	simm.s32 $_size__tile_overlayer_lowered;
	s7 =	simm.s32 $_tile_overlayer_lowered  }
0x9c: {  	s22 =	simm.s32 $0x1BFF;
	s21 =	sshll.u32 s7, $0x1;
	s4 =	sadd.s32 s5, s19  }
0x9d: {  	s8 =	simm.s32 $0x0;
	s20 =	sshll.u32 s6, $0x1;
	s6 =	sadd.s32 s21, s4  }
0x9e: {  	[timem:s8], [sflag:s22] =	dma.local [hbm:s6], s20  }
0x9f: {  	_ =	swait.ge [sflag:s22], s20  }
0xa0: {  	s5 =	ssub.s32 $0x0, s20;
	[sflag:s22] =	ssyncset.done $0x0  }
0xa1: {  	[sflag:s22] =	ssyncadd.s32 s5;
	_ =	sdelay $0x1  }
0xa2: {  	s23 =	simm.s32 $0x1B8B  }
0xa3: {  	_ =	swait.ge [sflag:s23], $0x1  }
0xa4: {  	[sflag:s23] =	ssyncset.done $0x0  }
0xa5: {  	s25 =	simm.s32 $0x1B8E;
	s24 =	sld [smem:$0x3FFE];
	[sflag:s23] =	ssyncadd.s32 $0xFFFFFFFF  }
0xa6: {  	s26 =	simm.s32 $execute0_lowered;
	[smem:$0x3FD2] =	sst s25  }
0xa7: {  	s6 =	sshll.u32 s26, $0x1;
	_ =	strace $0x80000046;
	[dreg:$0x1] =	wrdreg $0xFFFFFFFF  }
0xa8: {  	s28 =	simm.s32 $_size_execute0_lowered;
	s4 =	sadd.s32 s4, s6;
	[dreg:$0x0] =	wrdreg $0x0  }
0xa9: {  	s6 =	sshll.u32 s28, $0x1;
	[dreg:$0x2] =	wrdreg s4  }
0xaa: {  	[dreg:$0x3] =	wrdreg s6  }
0xab: {  	[dreg:$0x4] =	wrdreg $0xC0  }
0xac: {  	_ =	task [dreg:s8], $0x5FFFF  }
0xad: {  	[dreg:$0x1] =	wrdreg $0xFFFFFFFF  }
0xae: {  	[dreg:$0x0] =	wrdreg $0x60  }
0xaf: {  	[dreg:$0x2] =	wrdreg s2  }
0xb0: {  	[dreg:$0x3] =	wrdreg s18  }
0xb1: {  	[dreg:$0x4] =	wrdreg s24  }
0xb2: {  	[dreg:$0x5] =	wrdreg $0x9  }
0xb3: {  	_ =	task.clear_ibuf [dreg:s8], $0x6FFFF;
	_ =	strace $0x90000046  }
0xb4: {  	s29 =	simm.s32 $0x9;
	_ =	strace $0x80000048  }
0xb5: {  	_ =	swait.ge [sflag:s29], $0x1  }
0xb6: {  	[sflag:s29] =	ssyncadd.s32 $0xFFFFFFFF  }
0xb7: {  	_ =	strace $0x90000048  }
0xb8: {  	_ =	sfence  }
0xb9: {  	s30 =	sld [smem:$0x0];
	_ =	sdelay $0x2  }
0xba: {  	s31 =	sshll.u32 s1, $0xD;
	s1 =	sshrl.u32 s1, $0x2  }
0xbb: {  	s3 =	sand.u32 $0x4000, s31;
	s1 =	sadd.s32 s1, s30  }
0xbc: {  	s0 =	sor.u32 s3, s0;
	s1 =	sshll.u32 s1, $0x11  }
0xbd: {  	s0 =	sor.u32 s1, s0  }
0xbe: {  	s0 =	sadd.s32 $0x8F2B, s0  }
0xbf: {  	[sflag:s0] =	ssyncadd.remote.s32 $0x1  }
0xc0: {  	_ =	sfence.sel $0xFFFF  }
0xc1: {  	[dreg:$0x0] =	wrdreg $0xFFFFFFFF;
	(pc) =	sbr.abs _section_cstart, $3  }
0xc2: {  	[dreg:$0x1] =	wrdreg $0xFFFFFFFF  }
0xc3: {  	_ =	task.clear_ibuf [dreg:s8], $0x2FFFF;
	_ =	strace $0x9FFFFFFF  }
0xc4: {  	(tm) =	ssettm $0x7FFFFFFF  }
0xc5: {  	_ =	shalt  }
tec
execute0_lowered:
.L_overlay_start_1:
0x0: {  	(tag) =	ssettag $0x1  }
0x1: {  	s0 =	rddreg [dreg:$0x0]  }
0x2: {  	s3 =	rddreg [dreg:$0x1]  }
0x3: {  	s5 =	rddreg [dreg:$0x2];
	s1 =	simm.s32 $0x0;
	s6 =	srdreg.scid  }
0x4: {  	s12 =	stileid.u32;
	[smem:$0x7FF] =	sst s1  }
0x5: {  	s2 =	sadd.s32 $0x2000, s5;
	s4 =	sadd.s32 $0xF44400, s5;
	s6 =	sand.u32 $0x1, s6  }
0x6: {  	s7 =	sadd.s32 $0x10CAE00, s5;
	s10 =	sshll.u32 s12, $0x7;
	s11 =	sshll.u32 s6, $0x6  }
0x7: {  	s24 =	sshll.u32 s12, $0xE;
	_ =	strace $0x80000047;
	s10 =	sor.u32 s11, s10  }
0x8: {  	s8 =	ssub.s32 $0x2, s6;
	s6 =	sshll.u32 s6, $0xD;
	s0 =	sadd.s32 s0, s10  }
0x9: {  	s25 =	sor.u32 s6, s24;
	s3 =	sadd.s32 s3, s10;
	[dreg:$0x18] =	wrdreg s0  }
0xa: {  	s5 =	sadd.s32 $0x110AE00, s5;
	s26 =	sadd.s32 s7, s25;
	[dreg:$0x19] =	wrdreg s3  }
0xb: {  	s28 =	sor.u32 $0x1000, s25;
	[dreg:$0x1a] =	wrdreg s26;
	s0 =	sadd.s32 s5, s25  }
0xc: {  	s9 =	sshrl.u32 s8, $0x1;
	s29 =	sadd.s32 s7, s28;
	[dreg:$0x1b] =	wrdreg s0  }
0xd: {  	s8 =	ssub.s32 s8, s9;
	s30 =	sadd.s32 s5, s28;
	[dreg:$0x1c] =	wrdreg s29  }
0xe: {  	s31 =	smax.u32 s8, $0x1;
	[dreg:$0x1d] =	wrdreg s30  }
0xf: {  	s3 =	simm.s32 $0x2;
	s5 =	simm.s32 $0x0;
	[dreg:$0x1e] =	wrdreg s31  }
.LBB2_1:
0x10: {  	[dreg:$0x1f] =	wrdreg s5  }
0x11: {  	s0 =	rddreg [dreg:$0x18]  }
0x12: {  	[tilespmem:s1], [sflag:$0x2] =	stream.linear.gather [hbm4b:s0+s1], $0x200, $0x38;
	[tilespmem:$0x10400] =	vst v63  }
0x13: {  	_ =	swait.ge [sflag:s3], $0x200  }
0x14: {  	[sflag:s3] =	ssyncset.done $0x0  }
0x15: {  	s15 =	simm.s32 $0x200;
	s11 =	rddreg [dreg:$0x19];
	[sflag:s3] =	ssyncadd.s32 $0xFFFFFE00  }
0x16: {  	[tilespmem:s15], [sflag:$0x2] =	stream.linear.gather [hbm4b:s11+s1], $0x200, $0x38;
	[tilespmem:$0x10400] =	vst v63  }
0x17: {  	_ =	swait.ge [sflag:s3], $0x200  }
0x18: {  	[sflag:s3] =	ssyncset.done $0x0  }
0x19: {  	[sflag:s3] =	ssyncadd.s32 $0xFFFFFE00  }
0x1a: {  	v0 =	vld [tilespmem:s15+$0x0]  }
0x1b: {  	v1 =	vld [tilespmem:s1+$0x0];
	_ =	sdelay $0x3  }
0x1c: {  	v0 =	vshll.u32 v0, $0x4  }
0x1d: {  	v1 =	vshll.u32 v1, $0x4;
	(v2sf) =	vpush v0, $0x0  }
0x1e: {  	(v2sf) =	vpush v1, $0x0  }
0x1f: {  	(v2sf) =	vpush v1, $0x1  }
0x20: {  	(v2sf) =	vpush v0, $0x1;
	_ =	sdelay $0x1  }
0x21: {  	(v2sf) =	vpush v1, $0x2  }
0x22: {  	(v2sf) =	vpush v0, $0x2;
	_ =	sdelay $0x1  }
0x23: {  	(v2sf) =	vpush v1, $0x3;
	_ =	sdelay $0x1  }
0x24: {  	(v2sf) =	vpush v0, $0x3;
	_ =	sdelay $0x1  }
0x25: {  	s18 =	simm.s32 $0x2000;
	p0 =	por $0x1, $0x1;
	s20 =	simm.s32 $0x0  }
0x26: {  	s13 =	simm.s32 $0x8400;
	s7 =	simm.s32 $0x400;
	s14 =	simm.s32 $0x600  }
0x27: {  	s17 =	simm.s32 $0x480;
	s23 =	simm.s32 $0x8480;
	s25 =	simm.s32 $0x500  }
0x28: {  	s28 =	simm.s32 $0x8500;
	s9 =	simm.s32 $0x8580;
	s12 =	spop (v2sf)  }
0x29: {  	s0 =	simm.s32 $0x680;
	s19 =	simm.s32 @!p0 $0x1;
	(v2sf) =	vpush v1, $0x4;
	s6 =	spop (v2sf)  }
0x2a: {  	s3 =	sand.u32 $0x1FFFFFF0, s12;
	s6 =	sand.u32 $0x1FFFFFF0, s6;
	s16 =	spop (v2sf)  }
0x2b: {  	(v2sf) =	vpush v0, $0x4;
	s3 =	sadd.s32 s4, s3;
	s6 =	sadd.s32 s2, s6;
	s22 =	spop (v2sf)  }
0x2c: {  	[tilespmem:s7], [sflag:$0x1] =	stream.linear.gather [hbm4b:s6+s1], $0x80, $0x38;
	[tilespmem:$0x10400] =	vst v63  }
0x2d: {  	s21 =	sand.u32 $0x1FFFFFF0, s16;
	s7 =	sand.u32 $0x1FFFFFF0, s22;
	s8 =	spop (v2sf)  }
0x2e: {  	(v2sf) =	vpush v1, $0x5;
	s5 =	sadd.s32 s2, s21;
	s21 =	simm.s32 $0x8680;
	s26 =	spop (v2sf)  }
0x2f: {  	(v2sf) =	vpush v0, $0x5;
	[tilespmem:s13], [sflag:$0x1] =	stream.linear.gather [hbm4b:s3+s1], $0x80, $0x38;
	[tilespmem:$0x10400] =	vst v63  }
0x30: {  	s24 =	sand.u32 $0x1FFFFFF0, s8;
	s7 =	sadd.s32 s4, s7;
	s30 =	spop (v2sf)  }
0x31: {  	(v2sf) =	vpush v1, $0x6;
	[tilespmem:s17], [sflag:$0x1] =	stream.linear.gather [hbm4b:s5+s1], $0x80, $0x38;
	[tilespmem:$0x10400] =	vst v63  }
0x32: {  	s29 =	sand.u32 $0x1FFFFFF0, s26;
	s3 =	simm.s32 $0x8800;
	s31 =	spop (v2sf)  }
0x33: {  	(v2sf) =	vpush v0, $0x6;
	[tilespmem:s23], [sflag:$0x1] =	stream.linear.gather [hbm4b:s7+s1], $0x80, $0x38;
	[tilespmem:$0x10400] =	vst v63  }
0x34: {  	s5 =	sadd.s32 s2, s24;
	s8 =	sand.u32 $0x1FFFFFF0, s31;
	s7 =	sand.u32 $0x1FFFFFF0, s30  }
0x35: {  	[tilespmem:s25], [sflag:$0x1] =	stream.linear.gather [hbm4b:s5+s1], $0x80, $0x38;
	[tilespmem:$0x10400] =	vst v63  }
0x36: {  	s30 =	simm.s32 $0x780;
	s7 =	sadd.s32 s2, s7;
	s5 =	sadd.s32 s4, s29  }
0x37: {  	(v2sf) =	vpush v1, $0x7;
	[tilespmem:s28], [sflag:$0x1] =	stream.linear.gather [hbm4b:s5+s1], $0x80, $0x38;
	[tilespmem:$0x10400] =	vst v63  }
0x38: {  	s25 =	simm.s32 $0x700;
	s5 =	simm.s32 $0x580;
	s10 =	spop (v2sf)  }
0x39: {  	[tilespmem:s5], [sflag:$0x1] =	stream.linear.gather [hbm4b:s7+s1], $0x80, $0x38;
	[tilespmem:$0x10400] =	vst v63  }
0x3a: {  	s28 =	simm.s32 $0x8700;
	s5 =	sadd.s32 s4, s8;
	s12 =	spop (v2sf)  }
0x3b: {  	(v2sf) =	vpush v0, $0x7;
	s11 =	sand.u32 $0x1FFFFFF0, s10;
	s10 =	simm.s32 $0x8780;
	s7 =	sand.u32 $0x1FFFFFF0, s12  }
0x3c: {  	(v2sf) =	vpush v1, $0x8;
	[tilespmem:s9], [sflag:$0x1] =	stream.linear.gather [hbm4b:s5+s1], $0x80, $0x38;
	[tilespmem:$0x10400] =	vst v63  }
0x3d: {  	s13 =	spop (v2sf);
	s12 =	simm.s32 $0x800;
	s5 =	sadd.s32 s2, s11  }
0x3e: {  	(v2sf) =	vpush v0, $0x8;
	s16 =	sand.u32 $0x1FFFFFF0, s13;
	s7 =	sadd.s32 s4, s7;
	s17 =	spop (v2sf)  }
0x3f: {  	(v2sf) =	vpush v1, $0x9;
	[tilespmem:s14], [sflag:$0x1] =	stream.linear.gather [hbm4b:s5+s1], $0x80, $0x38;
	[tilespmem:$0x10400] =	vst v63  }
0x40: {  	s6 =	sadd.s32 s2, s16;
	s23 =	spop (v2sf);
	s14 =	simm.s32 $0x8600  }
0x41: {  	(v2sf) =	vpush v0, $0x9;
	[tilespmem:s14], [sflag:$0x1] =	stream.linear.gather [hbm4b:s7+s1], $0x80, $0x38;
	[tilespmem:$0x10400] =	vst v63  }
0x42: {  	s22 =	sand.u32 $0x1FFFFFF0, s17;
	s5 =	simm.s32 $0x8880;
	s24 =	spop (v2sf);
	(v2sf) =	vpush v1, $0xA  }
0x43: {  	[tilespmem:s0], [sflag:$0x1] =	stream.linear.gather [hbm4b:s6+s1], $0x80, $0x38;
	[tilespmem:$0x10400] =	vst v63  }
0x44: {  	s26 =	sand.u32 $0x1FFFFFF0, s24;
	(v2sf) =	vpush v0, $0xA;
	s7 =	sand.u32 $0x1FFFFFF0, s23;
	s6 =	sadd.s32 s4, s22  }
0x45: {  	[tilespmem:s21], [sflag:$0x1] =	stream.linear.gather [hbm4b:s6+s1], $0x80, $0x38;
	[tilespmem:$0x10400] =	vst v63  }
0x46: {  	s29 =	spop (v2sf);
	s24 =	simm.s32 $0x8900;
	(v2sf) =	vpush v1, $0xB;
	s7 =	sadd.s32 s2, s7  }
0x47: {  	[tilespmem:s25], [sflag:$0x1] =	stream.linear.gather [hbm4b:s7+s1], $0x80, $0x38;
	[tilespmem:$0x10400] =	vst v63  }
0x48: {  	s31 =	sand.u32 $0x1FFFFFF0, s29;
	s14 =	simm.s32 $0x900;
	s6 =	sadd.s32 s4, s26  }
0x49: {  	[tilespmem:s28], [sflag:$0x1] =	stream.linear.gather [hbm4b:s6+s1], $0x80, $0x38;
	[tilespmem:$0x10400] =	vst v63  }
0x4a: {  	s22 =	simm.s32 $0x880;
	s26 =	simm.s32 $0x980;
	s8 =	spop (v2sf)  }
0x4b: {  	s6 =	sadd.s32 s2, s31;
	s7 =	sand.u32 $0x1FFFFFF0, s8;
	s9 =	spop (v2sf)  }
0x4c: {  	(v2sf) =	vpush v0, $0xB;
	[tilespmem:s30], [sflag:$0x1] =	stream.linear.gather [hbm4b:s6+s1], $0x80, $0x38;
	[tilespmem:$0x10400] =	vst v63  }
0x4d: {  	s11 =	sand.u32 $0x1FFFFFF0, s9;
	s7 =	sadd.s32 s4, s7;
	s13 =	spop (v2sf)  }
0x4e: {  	(v2sf) =	vpush v1, $0xC;
	s6 =	sadd.s32 s2, s11;
	s16 =	sand.u32 $0x1FFFFFF0, s13;
	s17 =	spop (v2sf)  }
0x4f: {  	[tilespmem:s10], [sflag:$0x1] =	stream.linear.gather [hbm4b:s7+s1], $0x80, $0x38;
	[tilespmem:$0x10400] =	vst v63  }
0x50: {  	(v2sf) =	vpush v0, $0xC;
	s13 =	simm.s32 $0xA00;
	s7 =	sand.u32 $0x1FFFFFF0, s17;
	s21 =	spop (v2sf)  }
0x51: {  	(v2sf) =	vpush v1, $0xD;
	s10 =	simm.s32 $0x8980;
	s23 =	sand.u32 $0x1FFFFFF0, s21;
	s25 =	spop (v2sf)  }
0x52: {  	[tilespmem:s12], [sflag:$0x1] =	stream.linear.gather [hbm4b:s6+s1], $0x80, $0x38;
	[tilespmem:$0x10400] =	vst v63  }
0x53: {  	s7 =	sadd.s32 s2, s7;
	(v2sf) =	vpush v0, $0xD;
	s6 =	sadd.s32 s4, s16;
	s29 =	spop (v2sf)  }
0x54: {  	[tilespmem:s3], [sflag:$0x1] =	stream.linear.gather [hbm4b:s6+s1], $0x80, $0x38;
	[tilespmem:$0x10400] =	vst v63  }
0x55: {  	s21 =	simm.s32 $0x10;
	(v2sf) =	vpush v1, $0xE;
	s28 =	sand.u32 $0x1FFFFFF0, s25;
	s30 =	spop (v2sf)  }
0x56: {  	[tilespmem:s22], [sflag:$0x1] =	stream.linear.gather [hbm4b:s7+s1], $0x80, $0x38;
	[tilespmem:$0x10400] =	vst v63  }
0x57: {  	s16 =	simm.s32 $0x8A00;
	(v2sf) =	vpush v0, $0xE;
	s6 =	sadd.s32 s4, s23;
	s31 =	sand.u32 $0x1FFFFFF0, s30  }
0x58: {  	[tilespmem:s5], [sflag:$0x1] =	stream.linear.gather [hbm4b:s6+s1], $0x80, $0x38;
	[tilespmem:$0x10400] =	vst v63  }
0x59: {  	(v2sf) =	vpush v1, $0xF;
	s23 =	simm.s32 $0xA80;
	s7 =	sand.u32 $0x1FFFFFF0, s29;
	s6 =	sadd.s32 s2, s28  }
0x5a: {  	[tilespmem:s14], [sflag:$0x1] =	stream.linear.gather [hbm4b:s6+s1], $0x80, $0x38;
	[tilespmem:$0x10400] =	vst v63  }
0x5b: {  	s0 =	sadd.s32 s2, s31;
	s8 =	sadd.s32 s4, s7;
	s9 =	spop (v2sf);
	(v2sf) =	vpush v0, $0xF  }
0x5c: {  	[tilespmem:s24], [sflag:$0x1] =	stream.linear.gather [hbm4b:s8+s1], $0x80, $0x38;
	[tilespmem:$0x10400] =	vst v63  }
0x5d: {  	s22 =	simm.s32 $0xB00;
	s3 =	sand.u32 $0x1FFFFFF0, s9;
	s11 =	spop (v2sf)  }
0x5e: {  	[tilespmem:s26], [sflag:$0x1] =	stream.linear.gather [hbm4b:s0+s1], $0x80, $0x38;
	[tilespmem:$0x10400] =	vst v63  }
0x5f: {  	s28 =	simm.s32 $0x8A80;
	s3 =	sadd.s32 s4, s3;
	s12 =	spop (v2sf)  }
0x60: {  	s5 =	sand.u32 $0x1FFFFFF0, s11;
	s14 =	sand.u32 $0x1FFFFFF0, s12;
	s17 =	spop (v2sf)  }
0x61: {  	[tilespmem:s10], [sflag:$0x1] =	stream.linear.gather [hbm4b:s3+s1], $0x80, $0x38;
	[tilespmem:$0x10400] =	vst v63  }
0x62: {  	s5 =	sadd.s32 s2, s5;
	s3 =	sadd.s32 s4, s14;
	s25 =	spop (v2sf)  }
0x63: {  	[tilespmem:s13], [sflag:$0x1] =	stream.linear.gather [hbm4b:s5+s1], $0x80, $0x38;
	[tilespmem:$0x10400] =	vst v63  }
0x64: {  	s24 =	sand.u32 $0x1FFFFFF0, s17;
	s26 =	spop (v2sf);
	s5 =	sand.u32 $0x1FFFFFF0, s25  }
0x65: {  	[tilespmem:s16], [sflag:$0x1] =	stream.linear.gather [hbm4b:s3+s1], $0x80, $0x38;
	[tilespmem:$0x10400] =	vst v63  }
0x66: {  	s29 =	spop (v2sf);
	s30 =	sand.u32 $0x1FFFFFF0, s26;
	s3 =	sadd.s32 s2, s24  }
0x67: {  	[tilespmem:s23], [sflag:$0x1] =	stream.linear.gather [hbm4b:s3+s1], $0x80, $0x38;
	[tilespmem:$0x10400] =	vst v63  }
0x68: {  	s5 =	sadd.s32 s4, s5;
	s0 =	sand.u32 $0x1FFFFFF0, s29;
	s31 =	spop (v2sf)  }
0x69: {  	[tilespmem:s28], [sflag:$0x1] =	stream.linear.gather [hbm4b:s5+s1], $0x80, $0x38;
	[tilespmem:$0x10400] =	vst v63  }
0x6a: {  	s6 =	sadd.s32 s2, s30;
	s3 =	sand.u32 $0x1FFFFFF0, s31;
	s5 =	spop (v2sf)  }
.LBB2_2:
0x6b: {  	[tilespmem:s22], [sflag:$0x1] =	stream.linear.gather [hbm4b:s6+s1], $0x80, $0x38;
	[tilespmem:$0x10400] =	vst v63  }
0x6c: {  	s7 =	sadd.s32 $0x8B00, s20;
	s0 =	sadd.s32 s4, s0  }
0x6d: {  	[tilespmem:s7], [sflag:$0x1] =	stream.linear.gather [hbm4b:s0+s1], $0x80, $0x38;
	[tilespmem:$0x10400] =	vst v63  }
0x6e: {  	s17 =	sadd.s32 $0xB80, s20;
	s3 =	sadd.s32 s2, s3;
	s5 =	sand.u32 $0x1FFFFFF0, s5  }
0x6f: {  	[tilespmem:s17], [sflag:$0x1] =	stream.linear.gather [hbm4b:s3+s1], $0x80, $0x38;
	[tilespmem:$0x10400] =	vst v63  }
0x70: {  	s20 =	sadd.s32 $0x8B80, s20;
	s22 =	sadd.s32 s4, s5  }
0x71: {  	[tilespmem:s20], [sflag:$0x1] =	stream.linear.gather [hbm4b:s22+s1], $0x80, $0x38;
	[tilespmem:$0x10400] =	vst v63  }
0x72: {  	_ =	swait.ge @!p0 [sflag:s19], $0x800  }
0x73: {  	[sflag:s19] =	ssyncset.done @!p0 $0x0  }
0x74: {  	[sflag:s19] =	ssyncadd.s32 @!p0 $0xFFFFF800  }
0x75: {  	_ =	swait.ge @!p0 [sflag:s19], $0x800  }
0x76: {  	[sflag:s19] =	ssyncset.done @!p0 $0x0  }
0x77: {  	s15 =	sadd.s32 $0x10, s15;
	[sflag:s19] =	ssyncadd.s32 @!p0 $0xFFFFF800  }
0x78: {  	v0 =	vld [tilespmem:s15+$0x0]  }
0x79: {  	v1 =	vld [tilespmem:s21+$0x0];
	_ =	sdelay $0x3  }
0x7a: {  	v0 =	vshll.u32 v0, $0x4  }
0x7b: {  	s16 =	smov.u32 s18;
	v1 =	vshll.u32 v1, $0x4;
	(v2sf) =	vpush v0, $0x0  }
0x7c: {  	s18 =	sadd.s32 $0x2000, s18;
	s20 =	sshra.s32 s16, $0x2;
	(v2sf) =	vpush v1, $0x0  }
0x7d: {  	p1 =	sne.s32 s18, $0x20000;
	s17 =	sadd.s32 $0x8400, s20;
	(v2sf) =	vpush v1, $0x1  }
0x7e: {  	s7 =	sadd.s32 $0x680, s20;
	s24 =	sadd.s32 $0x400, s20;
	s11 =	sadd.s32 $0x600, s20;
	(v2sf) =	vpush v0, $0x1  }
0x7f: {  	s23 =	sadd.s32 $0x8800, s20;
	s12 =	sadd.s32 $0x8580, s20;
	s25 =	sadd.s32 $0x8880, s20  }
0x80: {  	s0 =	sadd.s32 $0x500, s20;
	s13 =	sadd.s32 $0x8600, s20;
	[dreg:$0x14] =	wrdreg s23;
	(v2sf) =	vpush v1, $0x2  }
0x81: {  	s26 =	sadd.s32 $0x900, s20;
	s9 =	sadd.s32 $0x8680, s20;
	[dreg:$0x12] =	wrdreg s25  }
0x82: {  	s6 =	sadd.s32 $0x780, s20;
	s28 =	sadd.s32 $0x8900, s20;
	[dreg:$0x10] =	wrdreg s26;
	(v2sf) =	vpush v0, $0x2  }
0x83: {  	s8 =	sadd.s32 $0x700, s20;
	s29 =	sadd.s32 $0x980, s20;
	[dreg:$0xf] =	wrdreg s28  }
0x84: {  	s3 =	sadd.s32 $0x8780, s20;
	s30 =	sadd.s32 $0x880, s20;
	[dreg:$0xd] =	wrdreg s29;
	(v2sf) =	vpush v1, $0x3  }
0x85: {  	s5 =	sadd.s32 $0x800, s20;
	s14 =	sadd.s32 $0xA80, s20;
	[dreg:$0x16] =	wrdreg s30  }
0x86: {  	s22 =	sadd.s32 $0xB00, s20;
	s31 =	sadd.s32 $0x8A80, s20;
	[dreg:$0x9] =	wrdreg s14;
	(v2sf) =	vpush v0, $0x3  }
0x87: {  	s10 =	sadd.s32 $0x8700, s20;
	[dreg:$0x8] =	wrdreg s31;
	s23 =	sadd.s32 $0xA00, s20  }
0x88: {  	s25 =	sadd.s32 $0x480, s20;
	s28 =	sadd.s32 $0x8A00, s20;
	[dreg:$0x11] =	wrdreg s23;
	(v2sf) =	vpush v1, $0x4  }
0x89: {  	s26 =	sadd.s32 $0x8480, s20;
	s14 =	sadd.s32 $0x8980, s20;
	[dreg:$0xb] =	wrdreg s28  }
0x8a: {  	s28 =	sadd.s32 $0x8500, s20;
	p0 =	seq.s32 s16, $0x0;
	s29 =	spop (v2sf);
	(v2sf) =	vpush v0, $0x4  }
0x8b: {  	s16 =	sadd.s32 $0x580, s20;
	s19 =	simm.s32 @!p0 $0x1;
	s30 =	spop (v2sf)  }
0x8c: {  	s23 =	sand.u32 $0x1FFFFFF0, s29;
	s29 =	sand.u32 $0x1FFFFFF0, s30;
	s30 =	spop (v2sf);
	(v2sf) =	vpush v1, $0x5  }
0x8d: {  	s23 =	sadd.s32 s4, s23;
	s29 =	sadd.s32 s2, s29;
	s31 =	spop (v2sf)  }
0x8e: {  	(v2sf) =	vpush v0, $0x5;
	[tilespmem:s24], [sflag:$0x1] =	stream.linear.gather [hbm4b:s29+s1], $0x80, $0x38;
	[tilespmem:$0x10400] =	vst v63  }
0x8f: {  	s30 =	sand.u32 $0x1FFFFFF0, s30;
	s24 =	sand.u32 $0x1FFFFFF0, s31;
	s31 =	spop (v2sf);
	(v2sf) =	vpush v1, $0x6  }
0x90: {  	[tilespmem:s17], [sflag:$0x1] =	stream.linear.gather [hbm4b:s23+s1], $0x80, $0x38;
	[tilespmem:$0x10400] =	vst v63  }
0x91: {  	s30 =	sadd.s32 s2, s30;
	s23 =	sand.u32 $0x1FFFFFF0, s31;
	s31 =	spop (v2sf);
	(v2sf) =	vpush v0, $0x6  }
0x92: {  	[tilespmem:s25], [sflag:$0x1] =	stream.linear.gather [hbm4b:s30+s1], $0x80, $0x38;
	[tilespmem:$0x10400] =	vst v63  }
0x93: {  	s29 =	sand.u32 $0x1FFFFFF0, s31;
	s25 =	sadd.s32 s4, s24;
	s30 =	spop (v2sf);
	(v2sf) =	vpush v1, $0x7  }
0x94: {  	[tilespmem:s26], [sflag:$0x1] =	stream.linear.gather [hbm4b:s25+s1], $0x80, $0x38;
	[tilespmem:$0x10400] =	vst v63  }
0x95: {  	s31 =	sadd.s32 s2, s23;
	s23 =	sand.u32 $0x1FFFFFF0, s30;
	s26 =	spop (v2sf);
	(v2sf) =	vpush v0, $0x7  }
0x96: {  	[tilespmem:s0], [sflag:$0x1] =	stream.linear.gather [hbm4b:s31+s1], $0x80, $0x38;
	[tilespmem:$0x10400] =	vst v63  }
0x97: {  	s29 =	sadd.s32 s4, s29;
	s25 =	sadd.s32 s2, s23;
	s31 =	spop (v2sf);
	(v2sf) =	vpush v1, $0x8  }
0x98: {  	[tilespmem:s28], [sflag:$0x1] =	stream.linear.gather [hbm4b:s29+s1], $0x80, $0x38;
	[tilespmem:$0x10400] =	vst v63  }
0x99: {  	s30 =	sand.u32 $0x1FFFFFF0, s26;
	s26 =	sand.u32 $0x1FFFFFF0, s31;
	s28 =	spop (v2sf)  }
0x9a: {  	[tilespmem:s16], [sflag:$0x1] =	stream.linear.gather [hbm4b:s25+s1], $0x80, $0x38;
	[tilespmem:$0x10400] =	vst v63  }
0x9b: {  	s29 =	sadd.s32 s4, s30;
	(v2sf) =	vpush v0, $0x8;
	s30 =	sand.u32 $0x1FFFFFF0, s28;
	s31 =	spop (v2sf)  }
0x9c: {  	[tilespmem:s12], [sflag:$0x1] =	stream.linear.gather [hbm4b:s29+s1], $0x80, $0x38;
	[tilespmem:$0x10400] =	vst v63  }
0x9d: {  	s21 =	sadd.s32 $0x10, s21;
	(v2sf) =	vpush v1, $0x9;
	s25 =	sadd.s32 s4, s30;
	s24 =	spop (v2sf)  }
0x9e: {  	s12 =	sadd.s32 s2, s26;
	s23 =	sand.u32 $0x1FFFFFF0, s31;
	(v2sf) =	vpush v0, $0x9;
	s28 =	spop (v2sf)  }
0x9f: {  	[tilespmem:s11], [sflag:$0x1] =	stream.linear.gather [hbm4b:s12+s1], $0x80, $0x38;
	[tilespmem:$0x10400] =	vst v63  }
0xa0: {  	s26 =	sand.u32 $0x1FFFFFF0, s24;
	s29 =	sadd.s32 s2, s23;
	s31 =	spop (v2sf)  }
0xa1: {  	(v2sf) =	vpush v1, $0xA;
	[tilespmem:s13], [sflag:$0x1] =	stream.linear.gather [hbm4b:s25+s1], $0x80, $0x38;
	[tilespmem:$0x10400] =	vst v63  }
0xa2: {  	s30 =	sand.u32 $0x1FFFFFF0, s28;
	s11 =	sadd.s32 s4, s26;
	s17 =	spop (v2sf)  }
0xa3: {  	(v2sf) =	vpush v0, $0xA;
	[tilespmem:s7], [sflag:$0x1] =	stream.linear.gather [hbm4b:s29+s1], $0x80, $0x38;
	[tilespmem:$0x10400] =	vst v63  }
0xa4: {  	s23 =	sadd.s32 s2, s30;
	s16 =	sand.u32 $0x1FFFFFF0, s31;
	s25 =	spop (v2sf)  }
0xa5: {  	(v2sf) =	vpush v1, $0xB;
	[tilespmem:s9], [sflag:$0x1] =	stream.linear.gather [hbm4b:s11+s1], $0x80, $0x38;
	[tilespmem:$0x10400] =	vst v63  }
0xa6: {  	s26 =	sadd.s32 s4, s16;
	s24 =	sand.u32 $0x1FFFFFF0, s17;
	s29 =	spop (v2sf)  }
0xa7: {  	(v2sf) =	vpush v0, $0xB;
	[tilespmem:s8], [sflag:$0x1] =	stream.linear.gather [hbm4b:s23+s1], $0x80, $0x38;
	[tilespmem:$0x10400] =	vst v63  }
0xa8: {  	s30 =	sadd.s32 s2, s24;
	s28 =	sand.u32 $0x1FFFFFF0, s25;
	s8 =	sand.u32 $0x1FFFFFF0, s29  }
0xa9: {  	[tilespmem:s10], [sflag:$0x1] =	stream.linear.gather [hbm4b:s26+s1], $0x80, $0x38;
	[tilespmem:$0x10400] =	vst v63  }
0xaa: {  	(v2sf) =	vpush v1, $0xC;
	s13 =	sadd.s32 s2, s8;
	s31 =	spop (v2sf);
	s10 =	sadd.s32 s4, s28  }
0xab: {  	[tilespmem:s6], [sflag:$0x1] =	stream.linear.gather [hbm4b:s30+s1], $0x80, $0x38;
	[tilespmem:$0x10400] =	vst v63  }
0xac: {  	(v2sf) =	vpush v0, $0xC;
	s26 =	rddreg [dreg:$0x14];
	s11 =	sand.u32 $0x1FFFFFF0, s31;
	s12 =	spop (v2sf)  }
0xad: {  	s31 =	rddreg [dreg:$0x16];
	s23 =	sadd.s32 s4, s11;
	s17 =	spop (v2sf)  }
0xae: {  	[tilespmem:s3], [sflag:$0x1] =	stream.linear.gather [hbm4b:s10+s1], $0x80, $0x38;
	[tilespmem:$0x10400] =	vst v63  }
0xaf: {  	s11 =	rddreg [dreg:$0x12];
	s16 =	sand.u32 $0x1FFFFFF0, s12;
	s24 =	sand.u32 $0x1FFFFFF0, s17  }
0xb0: {  	(v2sf) =	vpush v1, $0xD;
	s25 =	spop (v2sf);
	s28 =	sadd.s32 s2, s16;
	s17 =	rddreg [dreg:$0x10]  }
0xb1: {  	[tilespmem:s5], [sflag:$0x1] =	stream.linear.gather [hbm4b:s13+s1], $0x80, $0x38;
	[tilespmem:$0x10400] =	vst v63  }
0xb2: {  	(v2sf) =	vpush v0, $0xD;
	s29 =	sand.u32 $0x1FFFFFF0, s25;
	s8 =	sadd.s32 s4, s24;
	s30 =	spop (v2sf)  }
0xb3: {  	[tilespmem:s26], [sflag:$0x1] =	stream.linear.gather [hbm4b:s23+s1], $0x80, $0x38;
	[tilespmem:$0x10400] =	vst v63  }
0xb4: {  	(v2sf) =	vpush v1, $0xE;
	s12 =	sadd.s32 s2, s29;
	s9 =	sand.u32 $0x1FFFFFF0, s30;
	s10 =	spop (v2sf)  }
0xb5: {  	[tilespmem:s31], [sflag:$0x1] =	stream.linear.gather [hbm4b:s28+s1], $0x80, $0x38;
	[tilespmem:$0x10400] =	vst v63  }
0xb6: {  	(v2sf) =	vpush v0, $0xE;
	s23 =	sadd.s32 s4, s9;
	s13 =	sand.u32 $0x1FFFFFF0, s10;
	s16 =	spop (v2sf)  }
0xb7: {  	s26 =	rddreg [dreg:$0xf];
	s28 =	sadd.s32 s2, s13;
	s24 =	sand.u32 $0x1FFFFFF0, s16  }
0xb8: {  	(v2sf) =	vpush v1, $0xF;
	[tilespmem:s11], [sflag:$0x1] =	stream.linear.gather [hbm4b:s8+s1], $0x80, $0x38;
	[tilespmem:$0x10400] =	vst v63  }
0xb9: {  	s31 =	rddreg [dreg:$0xd];
	s25 =	spop (v2sf);
	s8 =	sadd.s32 s4, s24  }
0xba: {  	(v2sf) =	vpush v0, $0xF;
	[tilespmem:s17], [sflag:$0x1] =	stream.linear.gather [hbm4b:s12+s1], $0x80, $0x38;
	[tilespmem:$0x10400] =	vst v63  }
0xbb: {  	s24 =	rddreg [dreg:$0xb];
	s29 =	sand.u32 $0x1FFFFFF0, s25;
	s30 =	spop (v2sf)  }
0xbc: {  	[tilespmem:s26], [sflag:$0x1] =	stream.linear.gather [hbm4b:s23+s1], $0x80, $0x38;
	[tilespmem:$0x10400] =	vst v63  }
0xbd: {  	s11 =	sadd.s32 s2, s29;
	s29 =	rddreg [dreg:$0x9];
	s9 =	sand.u32 $0x1FFFFFF0, s30  }
0xbe: {  	[tilespmem:s31], [sflag:$0x1] =	stream.linear.gather [hbm4b:s28+s1], $0x80, $0x38;
	[tilespmem:$0x10400] =	vst v63  }
0xbf: {  	s10 =	spop (v2sf);
	s16 =	sadd.s32 s4, s9;
	s31 =	rddreg [dreg:$0x8]  }
0xc0: {  	[tilespmem:s14], [sflag:$0x1] =	stream.linear.gather [hbm4b:s8+s1], $0x80, $0x38;
	[tilespmem:$0x10400] =	vst v63  }
0xc1: {  	s12 =	sand.u32 $0x1FFFFFF0, s10;
	s13 =	spop (v2sf);
	s14 =	rddreg [dreg:$0x11]  }
0xc2: {  	[tilespmem:s14], [sflag:$0x1] =	stream.linear.gather [hbm4b:s11+s1], $0x80, $0x38;
	[tilespmem:$0x10400] =	vst v63  }
0xc3: {  	s17 =	sand.u32 $0x1FFFFFF0, s13;
	s23 =	spop (v2sf);
	s25 =	sadd.s32 s2, s12  }
0xc4: {  	[tilespmem:s24], [sflag:$0x1] =	stream.linear.gather [hbm4b:s16+s1], $0x80, $0x38;
	[tilespmem:$0x10400] =	vst v63  }
.Ltmp0:
0xc5: {  	s26 =	sand.u32 $0x1FFFFFF0, s23;
	s28 =	spop (v2sf);
	(pc) =	sbr.rel @p1 .LBB2_2-.Ltmp0, $4  }
0xc6: {  	[tilespmem:s29], [sflag:$0x1] =	stream.linear.gather [hbm4b:s25+s1], $0x80, $0x38;
	[tilespmem:$0x10400] =	vst v63  }
0xc7: {  	s5 =	sadd.s32 s4, s17;
	s6 =	sadd.s32 s2, s26;
	s30 =	spop (v2sf)  }
0xc8: {  	[tilespmem:s31], [sflag:$0x1] =	stream.linear.gather [hbm4b:s5+s1], $0x80, $0x38;
	[tilespmem:$0x10400] =	vst v63  }
0xc9: {  	s0 =	sand.u32 $0x1FFFFFF0, s28;
	s3 =	sand.u32 $0x1FFFFFF0, s30;
	s5 =	spop (v2sf)  }
0xca: {  	[tilespmem:s22], [sflag:$0x1] =	stream.linear.gather [hbm4b:s6+s1], $0x80, $0x38;
	[tilespmem:$0x10400] =	vst v63  }
0xcb: {  	s12 =	sadd.s32 $0x8B00, s20;
	s0 =	sadd.s32 s4, s0  }
0xcc: {  	[tilespmem:s12], [sflag:$0x1] =	stream.linear.gather [hbm4b:s0+s1], $0x80, $0x38;
	[tilespmem:$0x10400] =	vst v63  }
0xcd: {  	s13 =	sadd.s32 $0xB80, s20;
	s3 =	sadd.s32 s2, s3;
	s5 =	sand.u32 $0x1FFFFFF0, s5  }
0xce: {  	[tilespmem:s13], [sflag:$0x1] =	stream.linear.gather [hbm4b:s3+s1], $0x80, $0x38;
	[tilespmem:$0x10400] =	vst v63  }
0xcf: {  	s14 =	sadd.s32 $0x8B80, s20;
	s15 =	sadd.s32 s4, s5  }
0xd0: {  	[tilespmem:s14], [sflag:$0x1] =	stream.linear.gather [hbm4b:s15+s1], $0x80, $0x38;
	[tilespmem:$0x10400] =	vst v63  }
0xd1: {  	_ =	swait.ge @!p0 [sflag:s19], $0x800  }
0xd2: {  	[sflag:s19] =	ssyncset.done @!p0 $0x0  }
0xd3: {  	[sflag:s19] =	ssyncadd.s32 @!p0 $0xFFFFF800  }
0xd4: {  	_ =	swait.ge @!p0 [sflag:s19], $0x800  }
0xd5: {  	[sflag:s19] =	ssyncset.done @!p0 $0x0  }
0xd6: {  	s16 =	simm.s32 $0x1;
	[sflag:s19] =	ssyncadd.s32 @!p0 $0xFFFFF800  }
0xd7: {  	_ =	swait.ge [sflag:s16], $0x800  }
0xd8: {  	[sflag:s16] =	ssyncset.done $0x0  }
0xd9: {  	[sflag:s16] =	ssyncadd.s32 $0xFFFFF800  }
0xda: {  	_ =	swait.ge [sflag:s16], $0x800  }
0xdb: {  	s17 =	simm.s32 $0x0;
	s20 =	simm.s32 $0x2;
	[sflag:s16] =	ssyncset.done $0x0  }
0xdc: {  	s19 =	simm.s32 $0x400;
	s18 =	rddreg [dreg:$0x1a];
	[sflag:s16] =	ssyncadd.s32 $0xFFFFF800  }
0xdd: {  	[hbm4b:s18+s17] =	stream.linear.scatter [tilespmem:s19], [sflag:$0x2], $0x8000, $0x38;
	[tilespmem:$0x10400] =	vst v63  }
0xde: {  	_ =	swait.ge [sflag:s20], $0x8000  }
0xdf: {  	[sflag:s20] =	ssyncset.done $0x0  }
0xe0: {  	s22 =	simm.s32 $0x8400;
	s21 =	rddreg [dreg:$0x1b];
	[sflag:s20] =	ssyncadd.s32 $0xFFFF8000  }
0xe1: {  	[hbm4b:s21+s17] =	stream.linear.scatter [tilespmem:s22], [sflag:$0x2], $0x8000, $0x38;
	[tilespmem:$0x10400] =	vst v63  }
0xe2: {  	_ =	swait.ge [sflag:s20], $0x8000  }
0xe3: {  	[sflag:s20] =	ssyncset.done $0x0  }
0xe4: {  	s23 =	simm.s32 $0x100;
	[sflag:s20] =	ssyncadd.s32 $0xFFFF8000  }
0xe5: {  	v0 =	vld [tilespmem:s23+$0x0]  }
0xe6: {  	s24 =	simm.s32 $0x300  }
0xe7: {  	v2 =	vld [tilespmem:s24+$0x0];
	_ =	sdelay $0x2  }
0xe8: {  	v1 =	vshll.u32 v0, $0x4  }
0xe9: {  	(v2sf) =	vpush v1, $0x0  }
0xea: {  	v63 =	vshll.u32 v2, $0x4  }
0xeb: {  	(v2sf) =	vpush v63, $0x0;
	_ =	sdelay $0x1  }
0xec: {  	(v2sf) =	vpush v1, $0x1  }
0xed: {  	(v2sf) =	vpush v63, $0x1  }
0xee: {  	(v2sf) =	vpush v1, $0x2;
	_ =	sdelay $0x1  }
0xef: {  	(v2sf) =	vpush v63, $0x2;
	_ =	sdelay $0x3  }
0xf0: {  	s25 =	simm.s32 $0x8400;
	s7 =	simm.s32 $0x680;
	s28 =	simm.s32 $0x400;
	(v2sf) =	vpush v1, $0x3  }
0xf1: {  	s9 =	simm.s32 $0x600;
	s30 =	simm.s32 $0x480;
	s11 =	simm.s32 $0x500  }
0xf2: {  	s5 =	simm.s32 $0x8980;
	s3 =	simm.s32 $0x880;
	s13 =	simm.s32 $0x8500;
	(v2sf) =	vpush v63, $0x3  }
0xf3: {  	p0 =	por $0x1, $0x1;
	s16 =	simm.s32 $0x580;
	s26 =	spop (v2sf)  }
0xf4: {  	s18 =	simm.s32 $0x0;
	s17 =	simm.s32 $0x2000;
	s0 =	sand.u32 $0x1FFFFFF0, s26  }
0xf5: {  	s21 =	simm.s32 $0x8580;
	s8 =	spop (v2sf);
	s0 =	sadd.s32 s2, s0  }
0xf6: {  	(v2sf) =	vpush v1, $0x4;
	[tilespmem:s28], [sflag:$0x1] =	stream.linear.gather [hbm4b:s0+s1], $0x80, $0x38;
	[tilespmem:$0x10400] =	vst v63  }
0xf7: {  	(v2sf) =	vpush v63, $0x4;
	s8 =	sand.u32 $0x1FFFFFF0, s8;
	s29 =	spop (v2sf);
	s0 =	simm.s32 $0x8900  }
0xf8: {  	s8 =	sadd.s32 s4, s8;
	s6 =	sand.u32 $0x1FFFFFF0, s29;
	s31 =	spop (v2sf)  }
0xf9: {  	(v2sf) =	vpush v1, $0x5;
	s29 =	simm.s32 $0x8680;
	s6 =	sadd.s32 s2, s6;
	s10 =	spop (v2sf)  }
0xfa: {  	[tilespmem:s25], [sflag:$0x1] =	stream.linear.gather [hbm4b:s8+s1], $0x80, $0x38;
	[tilespmem:$0x10400] =	vst v63  }
0xfb: {  	s8 =	sand.u32 $0x1FFFFFF0, s31;
	s10 =	sand.u32 $0x1FFFFFF0, s10;
	s12 =	spop (v2sf)  }
0xfc: {  	(v2sf) =	vpush v63, $0x5;
	[tilespmem:s30], [sflag:$0x1] =	stream.linear.gather [hbm4b:s6+s1], $0x80, $0x38;
	[tilespmem:$0x10400] =	vst v63  }
0xfd: {  	s25 =	simm.s32 $0x8600;
	s8 =	sadd.s32 s4, s8;
	s6 =	simm.s32 $0x8480  }
0xfe: {  	(v2sf) =	vpush v1, $0x6;
	[tilespmem:s6], [sflag:$0x1] =	stream.linear.gather [hbm4b:s8+s1], $0x80, $0x38;
	[tilespmem:$0x10400] =	vst v63  }
0xff: {  	s14 =	spop (v2sf);
	s8 =	sadd.s32 s2, s10;
	s6 =	sand.u32 $0x1FFFFFF0, s12  }
0x100: {  	(v2sf) =	vpush v63, $0x6;
	[tilespmem:s11], [sflag:$0x1] =	stream.linear.gather [hbm4b:s8+s1], $0x80, $0x38;
	[tilespmem:$0x10400] =	vst v63  }
0x101: {  	s15 =	spop (v2sf);
	s6 =	sadd.s32 s4, s6;
	s8 =	sand.u32 $0x1FFFFFF0, s14  }
0x102: {  	[tilespmem:s13], [sflag:$0x1] =	stream.linear.gather [hbm4b:s6+s1], $0x80, $0x38;
	[tilespmem:$0x10400] =	vst v63  }
0x103: {  	s20 =	sand.u32 $0x1FFFFFF0, s15;
	s11 =	simm.s32 $0x8700;
	s19 =	sadd.s32 s2, s8  }
0x104: {  	(v2sf) =	vpush v1, $0x7;
	[tilespmem:s16], [sflag:$0x1] =	stream.linear.gather [hbm4b:s19+s1], $0x80, $0x38;
	[tilespmem:$0x10400] =	vst v63  }
0x105: {  	s8 =	sadd.s32 s4, s20;
	s13 =	simm.s32 $0x780;
	s22 =	spop (v2sf)  }
0x106: {  	(v2sf) =	vpush v63, $0x7;
	s16 =	simm.s32 $0x8780;
	s6 =	sand.u32 $0x1FFFFFF0, s22;
	s23 =	spop (v2sf)  }
0x107: {  	(v2sf) =	vpush v1, $0x8;
	[tilespmem:s21], [sflag:$0x1] =	stream.linear.gather [hbm4b:s8+s1], $0x80, $0x38;
	[tilespmem:$0x10400] =	vst v63  }
0x108: {  	s6 =	sadd.s32 s2, s6;
	s8 =	sand.u32 $0x1FFFFFF0, s23;
	s24 =	spop (v2sf)  }
0x109: {  	(v2sf) =	vpush v63, $0x8;
	s21 =	simm.s32 $0x800;
	s23 =	simm.s32 $0x8800;
	s8 =	sadd.s32 s4, s8  }
0x10a: {  	[tilespmem:s9], [sflag:$0x1] =	stream.linear.gather [hbm4b:s6+s1], $0x80, $0x38;
	[tilespmem:$0x10400] =	vst v63  }
0x10b: {  	s26 =	sand.u32 $0x1FFFFFF0, s24;
	s28 =	spop (v2sf);
	(v2sf) =	vpush v1, $0x9;
	s6 =	simm.s32 $0xA00  }
0x10c: {  	[tilespmem:s25], [sflag:$0x1] =	stream.linear.gather [hbm4b:s8+s1], $0x80, $0x38;
	[tilespmem:$0x10400] =	vst v63  }
0x10d: {  	s9 =	sadd.s32 s2, s26;
	(v2sf) =	vpush v63, $0x9;
	s30 =	spop (v2sf);
	s8 =	sand.u32 $0x1FFFFFF0, s28  }
0x10e: {  	[tilespmem:s7], [sflag:$0x1] =	stream.linear.gather [hbm4b:s9+s1], $0x80, $0x38;
	[tilespmem:$0x10400] =	vst v63  }
0x10f: {  	s31 =	spop (v2sf);
	(v2sf) =	vpush v1, $0xA;
	s8 =	sadd.s32 s4, s8;
	s9 =	sand.u32 $0x1FFFFFF0, s30  }
0x110: {  	[tilespmem:s29], [sflag:$0x1] =	stream.linear.gather [hbm4b:s8+s1], $0x80, $0x38;
	[tilespmem:$0x10400] =	vst v63  }
0x111: {  	s10 =	sand.u32 $0x1FFFFFF0, s31;
	(v2sf) =	vpush v63, $0xA;
	s9 =	sadd.s32 s2, s9;
	s8 =	simm.s32 $0x700  }
0x112: {  	[tilespmem:s8], [sflag:$0x1] =	stream.linear.gather [hbm4b:s9+s1], $0x80, $0x38;
	[tilespmem:$0x10400] =	vst v63  }
0x113: {  	s26 =	simm.s32 $0x980;
	s12 =	spop (v2sf);
	s9 =	sadd.s32 s4, s10  }
0x114: {  	[tilespmem:s11], [sflag:$0x1] =	stream.linear.gather [hbm4b:s9+s1], $0x80, $0x38;
	[tilespmem:$0x10400] =	vst v63  }
0x115: {  	(v2sf) =	vpush v1, $0xB;
	s30 =	simm.s32 $0x8880;
	s8 =	sand.u32 $0x1FFFFFF0, s12;
	s14 =	spop (v2sf)  }
0x116: {  	s8 =	sadd.s32 s2, s8;
	s9 =	sand.u32 $0x1FFFFFF0, s14;
	s15 =	spop (v2sf)  }
0x117: {  	(v2sf) =	vpush v63, $0xB;
	[tilespmem:s13], [sflag:$0x1] =	stream.linear.gather [hbm4b:s8+s1], $0x80, $0x38;
	[tilespmem:$0x10400] =	vst v63  }
0x118: {  	s19 =	sadd.s32 s4, s9;
	s20 =	sand.u32 $0x1FFFFFF0, s15;
	s22 =	spop (v2sf)  }
0x119: {  	[tilespmem:s16], [sflag:$0x1] =	stream.linear.gather [hbm4b:s19+s1], $0x80, $0x38;
	[tilespmem:$0x10400] =	vst v63  }
0x11a: {  	(v2sf) =	vpush v1, $0xC;
	s9 =	sadd.s32 s2, s20;
	s8 =	sand.u32 $0x1FFFFFF0, s22;
	s24 =	spop (v2sf)  }
0x11b: {  	(v2sf) =	vpush v63, $0xC;
	[tilespmem:s21], [sflag:$0x1] =	stream.linear.gather [hbm4b:s9+s1], $0x80, $0x38;
	[tilespmem:$0x10400] =	vst v63  }
0x11c: {  	s8 =	sadd.s32 s4, s8;
	s25 =	spop (v2sf);
	s9 =	sand.u32 $0x1FFFFFF0, s24  }
0x11d: {  	[tilespmem:s23], [sflag:$0x1] =	stream.linear.gather [hbm4b:s8+s1], $0x80, $0x38;
	[tilespmem:$0x10400] =	vst v63  }
0x11e: {  	(v2sf) =	vpush v1, $0xD;
	s29 =	sand.u32 $0x1FFFFFF0, s25;
	s31 =	spop (v2sf);
	s28 =	sadd.s32 s2, s9  }
0x11f: {  	[tilespmem:s3], [sflag:$0x1] =	stream.linear.gather [hbm4b:s28+s1], $0x80, $0x38;
	[tilespmem:$0x10400] =	vst v63  }
0x120: {  	(v2sf) =	vpush v63, $0xD;
	s9 =	sadd.s32 s4, s29;
	s11 =	spop (v2sf);
	s8 =	sand.u32 $0x1FFFFFF0, s31  }
0x121: {  	[tilespmem:s30], [sflag:$0x1] =	stream.linear.gather [hbm4b:s9+s1], $0x80, $0x38;
	[tilespmem:$0x10400] =	vst v63  }
0x122: {  	s10 =	simm.s32 $0x900;
	(v2sf) =	vpush v1, $0xE;
	s8 =	sadd.s32 s2, s8;
	s9 =	sand.u32 $0x1FFFFFF0, s11  }
0x123: {  	[tilespmem:s10], [sflag:$0x1] =	stream.linear.gather [hbm4b:s8+s1], $0x80, $0x38;
	[tilespmem:$0x10400] =	vst v63  }
0x124: {  	s13 =	simm.s32 $0x8A00;
	s12 =	spop (v2sf);
	s14 =	sadd.s32 s4, s9  }
0x125: {  	[tilespmem:s0], [sflag:$0x1] =	stream.linear.gather [hbm4b:s14+s1], $0x80, $0x38;
	[tilespmem:$0x10400] =	vst v63  }
0x126: {  	s29 =	simm.s32 $0xA80;
	s15 =	sand.u32 $0x1FFFFFF0, s12;
	s16 =	spop (v2sf)  }
0x127: {  	s23 =	simm.s32 $0x8A80;
	s19 =	sadd.s32 s2, s15;
	s0 =	sand.u32 $0x1FFFFFF0, s16  }
0x128: {  	[tilespmem:s26], [sflag:$0x1] =	stream.linear.gather [hbm4b:s19+s1], $0x80, $0x38;
	[tilespmem:$0x10400] =	vst v63  }
0x129: {  	s15 =	simm.s32 $0x8B00;
	s20 =	spop (v2sf);
	s0 =	sadd.s32 s4, s0  }
0x12a: {  	s19 =	simm.s32 $0x110;
	s7 =	sand.u32 $0x1FFFFFF0, s20;
	s21 =	spop (v2sf)  }
0x12b: {  	[tilespmem:s5], [sflag:$0x1] =	stream.linear.gather [hbm4b:s0+s1], $0x80, $0x38;
	[tilespmem:$0x10400] =	vst v63  }
0x12c: {  	s20 =	simm.s32 $0x310;
	s22 =	sadd.s32 s2, s7;
	s24 =	sand.u32 $0x1FFFFFF0, s21  }
0x12d: {  	s25 =	spop (v2sf);
	s21 =	simm.s32 @!p0 $0x1;
	s26 =	sadd.s32 s4, s24  }
0x12e: {  	[tilespmem:s6], [sflag:$0x1] =	stream.linear.gather [hbm4b:s22+s1], $0x80, $0x38;
	[tilespmem:$0x10400] =	vst v63  }
0x12f: {  	s28 =	sand.u32 $0x1FFFFFF0, s25;
	s24 =	simm.s32 $0xB00;
	s31 =	spop (v2sf)  }
0x130: {  	(v2sf) =	vpush v63, $0xE;
	[tilespmem:s13], [sflag:$0x1] =	stream.linear.gather [hbm4b:s26+s1], $0x80, $0x38;
	[tilespmem:$0x10400] =	vst v63  }
0x131: {  	(v2sf) =	vpush v1, $0xF;
	s30 =	sadd.s32 s2, s28;
	s3 =	sand.u32 $0x1FFFFFF0, s31;
	s5 =	spop (v2sf)  }
0x132: {  	(v2sf) =	vpush v63, $0xF;
	[tilespmem:s29], [sflag:$0x1] =	stream.linear.gather [hbm4b:s30+s1], $0x80, $0x38;
	[tilespmem:$0x10400] =	vst v63  }
.LBB2_4:
0x133: {  	_ =	sdelay $0x7  }
0x134: {  	s3 =	sadd.s32 s4, s3;
	s5 =	sand.u32 $0x1FFFFFF0, s5  }
0x135: {  	[tilespmem:s23], [sflag:$0x1] =	stream.linear.gather [hbm4b:s3+s1], $0x80, $0x38;
	[tilespmem:$0x10400] =	vst v63  }
0x136: {  	s5 =	sadd.s32 s2, s5  }
0x137: {  	[tilespmem:s24], [sflag:$0x1] =	stream.linear.gather [hbm4b:s5+s1], $0x80, $0x38;
	[tilespmem:$0x10400] =	vst v63  }
0x138: {  	s6 =	spop (v2sf)  }
0x139: {  	s7 =	sand.u32 $0x1FFFFFF0, s6;
	s8 =	spop (v2sf)  }
0x13a: {  	s9 =	sadd.s32 s4, s7;
	s10 =	sand.u32 $0x1FFFFFF0, s8;
	s11 =	spop (v2sf)  }
0x13b: {  	[tilespmem:s15], [sflag:$0x1] =	stream.linear.gather [hbm4b:s9+s1], $0x80, $0x38;
	[tilespmem:$0x10400] =	vst v63  }
0x13c: {  	s12 =	sadd.s32 $0xB80, s18;
	s5 =	sadd.s32 s2, s10;
	s6 =	sand.u32 $0x1FFFFFF0, s11  }
0x13d: {  	[tilespmem:s12], [sflag:$0x1] =	stream.linear.gather [hbm4b:s5+s1], $0x80, $0x38;
	[tilespmem:$0x10400] =	vst v63  }
0x13e: {  	s13 =	sadd.s32 $0x8B80, s18;
	s14 =	sadd.s32 s4, s6  }
0x13f: {  	[tilespmem:s13], [sflag:$0x1] =	stream.linear.gather [hbm4b:s14+s1], $0x80, $0x38;
	[tilespmem:$0x10400] =	vst v63  }
0x140: {  	_ =	swait.ge @!p0 [sflag:s21], $0x800  }
0x141: {  	[sflag:s21] =	ssyncset.done @!p0 $0x0  }
0x142: {  	[sflag:s21] =	ssyncadd.s32 @!p0 $0xFFFFF800  }
0x143: {  	_ =	swait.ge @!p0 [sflag:s21], $0x800  }
0x144: {  	[sflag:s21] =	ssyncset.done @!p0 $0x0  }
0x145: {  	[sflag:s21] =	ssyncadd.s32 @!p0 $0xFFFFF800  }
0x146: {  	v0 =	vld [tilespmem:s19+$0x0];
	_ =	sdelay $0x1  }
0x147: {  	v2 =	vld [tilespmem:s20+$0x0];
	_ =	sdelay $0x2  }
0x148: {  	v1 =	vshll.u32 v0, $0x4  }
0x149: {  	s0 =	smov.u32 s17;
	(v2sf) =	vpush v1, $0x0  }
0x14a: {  	s17 =	sadd.s32 $0x2000, s17;
	s18 =	sshra.s32 s0, $0x2;
	v63 =	vshll.u32 v2, $0x4  }
0x14b: {  	p1 =	sne.s32 s17, $0x20000;
	s28 =	sadd.s32 $0x8400, s18;
	(v2sf) =	vpush v63, $0x0  }
0x14c: {  	s30 =	sadd.s32 $0x400, s18;
	s16 =	sadd.s32 $0x8900, s18;
	s3 =	sadd.s32 $0x580, s18;
	(v2sf) =	vpush v1, $0x1  }
0x14d: {  	s26 =	sadd.s32 $0x500, s18;
	s22 =	sadd.s32 $0xA00, s18;
	s15 =	sadd.s32 $0x880, s18  }
0x14e: {  	s29 =	sadd.s32 $0x8480, s18;
	s23 =	sadd.s32 $0x980, s18;
	[dreg:$0xc] =	wrdreg s15;
	(v2sf) =	vpush v63, $0x1  }
0x14f: {  	s25 =	sadd.s32 $0x8880, s18;
	s31 =	sadd.s32 $0x900, s18;
	[dreg:$0x7] =	wrdreg s16  }
0x150: {  	s24 =	sadd.s32 $0x8A00, s18;
	s8 =	sadd.s32 $0x780, s18;
	[dreg:$0x4] =	wrdreg s22;
	(v2sf) =	vpush v1, $0x2  }
0x151: {  	s7 =	sadd.s32 $0x8800, s18;
	s11 =	sadd.s32 $0x8680, s18;
	[dreg:$0xa] =	wrdreg s23  }
0x152: {  	s10 =	sadd.s32 $0x700, s18;
	s9 =	sadd.s32 $0x8700, s18;
	[dreg:$0x6] =	wrdreg s24;
	(v2sf) =	vpush v63, $0x2  }
0x153: {  	s6 =	sadd.s32 $0x680, s18;
	s12 =	sadd.s32 $0x8580, s18;
	[dreg:$0x15] =	wrdreg s25  }
0x154: {  	s5 =	sadd.s32 $0x800, s18;
	s13 =	sadd.s32 $0x600, s18;
	[dreg:$0x13] =	wrdreg s31;
	(v2sf) =	vpush v1, $0x3  }
0x155: {  	s16 =	sadd.s32 $0x8600, s18;
	s22 =	sadd.s32 $0x8500, s18;
	[dreg:$0x17] =	wrdreg s7  }
0x156: {  	s23 =	sadd.s32 $0x8A80, s18;
	s31 =	sadd.s32 $0x480, s18;
	s7 =	sadd.s32 $0x8780, s18;
	(v2sf) =	vpush v63, $0x3  }
0x157: {  	s15 =	sadd.s32 $0x8B00, s18;
	s24 =	sadd.s32 $0xB00, s18;
	s21 =	sadd.s32 $0x8980, s18  }
0x158: {  	p0 =	seq.s32 s0, $0x0;
	[dreg:$0x5] =	wrdreg s21;
	(v2sf) =	vpush v1, $0x4;
	s14 =	spop (v2sf)  }
0x159: {  	s19 =	sadd.s32 $0x10, s19;
	s0 =	sand.u32 $0x1FFFFFF0, s14;
	s14 =	sadd.s32 $0xA80, s18  }
0x15a: {  	s20 =	sadd.s32 $0x10, s20;
	s25 =	spop (v2sf);
	(v2sf) =	vpush v63, $0x4;
	[dreg:$0xe] =	wrdreg s14  }
0x15b: {  	s0 =	sadd.s32 s2, s0;
	s25 =	sand.u32 $0x1FFFFFF0, s25;
	s14 =	spop (v2sf)  }
0x15c: {  	(v2sf) =	vpush v1, $0x5;
	[tilespmem:s30], [sflag:$0x1] =	stream.linear.gather [hbm4b:s0+s1], $0x80, $0x38;
	[tilespmem:$0x10400] =	vst v63  }
0x15d: {  	s25 =	sadd.s32 s4, s25;
	s14 =	sand.u32 $0x1FFFFFF0, s14;
	s30 =	spop (v2sf);
	(v2sf) =	vpush v63, $0x5  }
0x15e: {  	[tilespmem:s28], [sflag:$0x1] =	stream.linear.gather [hbm4b:s25+s1], $0x80, $0x38;
	[tilespmem:$0x10400] =	vst v63  }
0x15f: {  	s14 =	sadd.s32 s2, s14;
	s28 =	sand.u32 $0x1FFFFFF0, s30;
	s30 =	spop (v2sf);
	(v2sf) =	vpush v1, $0x6  }
0x160: {  	[tilespmem:s31], [sflag:$0x1] =	stream.linear.gather [hbm4b:s14+s1], $0x80, $0x38;
	[tilespmem:$0x10400] =	vst v63  }
0x161: {  	s25 =	sand.u32 $0x1FFFFFF0, s30;
	s14 =	sadd.s32 s4, s28;
	s28 =	spop (v2sf);
	(v2sf) =	vpush v63, $0x6  }
0x162: {  	[tilespmem:s29], [sflag:$0x1] =	stream.linear.gather [hbm4b:s14+s1], $0x80, $0x38;
	[tilespmem:$0x10400] =	vst v63  }
0x163: {  	s30 =	sand.u32 $0x1FFFFFF0, s28;
	s31 =	spop (v2sf);
	(v2sf) =	vpush v1, $0x7;
	s29 =	sadd.s32 s2, s25  }
0x164: {  	[tilespmem:s26], [sflag:$0x1] =	stream.linear.gather [hbm4b:s29+s1], $0x80, $0x38;
	[tilespmem:$0x10400] =	vst v63  }
0x165: {  	s14 =	sadd.s32 s4, s30;
	s28 =	spop (v2sf);
	(v2sf) =	vpush v63, $0x7;
	s26 =	sand.u32 $0x1FFFFFF0, s31  }
0x166: {  	[tilespmem:s22], [sflag:$0x1] =	stream.linear.gather [hbm4b:s14+s1], $0x80, $0x38;
	[tilespmem:$0x10400] =	vst v63  }
0x167: {  	s30 =	sand.u32 $0x1FFFFFF0, s28;
	s31 =	spop (v2sf);
	(v2sf) =	vpush v1, $0x8;
	s29 =	sadd.s32 s2, s26  }
0x168: {  	[tilespmem:s3], [sflag:$0x1] =	stream.linear.gather [hbm4b:s29+s1], $0x80, $0x38;
	[tilespmem:$0x10400] =	vst v63  }
0x169: {  	s21 =	simm.s32 @!p0 $0x1;
	s3 =	sadd.s32 s4, s30;
	s22 =	spop (v2sf)  }
0x16a: {  	[tilespmem:s12], [sflag:$0x1] =	stream.linear.gather [hbm4b:s3+s1], $0x80, $0x38;
	[tilespmem:$0x10400] =	vst v63  }
0x16b: {  	s14 =	sand.u32 $0x1FFFFFF0, s31;
	(v2sf) =	vpush v63, $0x8;
	s26 =	sand.u32 $0x1FFFFFF0, s22;
	s28 =	spop (v2sf)  }
0x16c: {  	s25 =	sadd.s32 s2, s14;
	(v2sf) =	vpush v1, $0x9;
	s29 =	sadd.s32 s4, s26;
	s31 =	spop (v2sf)  }
0x16d: {  	[tilespmem:s13], [sflag:$0x1] =	stream.linear.gather [hbm4b:s25+s1], $0x80, $0x38;
	[tilespmem:$0x10400] =	vst v63  }
0x16e: {  	s30 =	sand.u32 $0x1FFFFFF0, s28;
	(v2sf) =	vpush v63, $0x9;
	s12 =	sand.u32 $0x1FFFFFF0, s31;
	s13 =	spop (v2sf)  }
0x16f: {  	[tilespmem:s16], [sflag:$0x1] =	stream.linear.gather [hbm4b:s29+s1], $0x80, $0x38;
	[tilespmem:$0x10400] =	vst v63  }
0x170: {  	s3 =	sadd.s32 s2, s30;
	s14 =	sadd.s32 s4, s12;
	s22 =	spop (v2sf)  }
0x171: {  	(v2sf) =	vpush v1, $0xA;
	[tilespmem:s6], [sflag:$0x1] =	stream.linear.gather [hbm4b:s3+s1], $0x80, $0x38;
	[tilespmem:$0x10400] =	vst v63  }
0x172: {  	s16 =	sand.u32 $0x1FFFFFF0, s13;
	s26 =	sand.u32 $0x1FFFFFF0, s22;
	s28 =	spop (v2sf)  }
0x173: {  	(v2sf) =	vpush v63, $0xA;
	[tilespmem:s11], [sflag:$0x1] =	stream.linear.gather [hbm4b:s14+s1], $0x80, $0x38;
	[tilespmem:$0x10400] =	vst v63  }
0x174: {  	s25 =	sadd.s32 s2, s16;
	s29 =	sadd.s32 s4, s26;
	s31 =	spop (v2sf)  }
0x175: {  	[tilespmem:s10], [sflag:$0x1] =	stream.linear.gather [hbm4b:s25+s1], $0x80, $0x38;
	[tilespmem:$0x10400] =	vst v63  }
0x176: {  	s30 =	sand.u32 $0x1FFFFFF0, s28;
	s11 =	sand.u32 $0x1FFFFFF0, s31;
	s12 =	spop (v2sf)  }
0x177: {  	(v2sf) =	vpush v1, $0xB;
	[tilespmem:s9], [sflag:$0x1] =	stream.linear.gather [hbm4b:s29+s1], $0x80, $0x38;
	[tilespmem:$0x10400] =	vst v63  }
0x178: {  	s31 =	rddreg [dreg:$0x17];
	s10 =	sadd.s32 s2, s30;
	s14 =	sand.u32 $0x1FFFFFF0, s12  }
0x179: {  	(v2sf) =	vpush v63, $0xB;
	[tilespmem:s8], [sflag:$0x1] =	stream.linear.gather [hbm4b:s10+s1], $0x80, $0x38;
	[tilespmem:$0x10400] =	vst v63  }
0x17a: {  	s13 =	sadd.s32 s4, s11;
	s22 =	sadd.s32 s2, s14;
	s16 =	spop (v2sf)  }
0x17b: {  	(v2sf) =	vpush v1, $0xC;
	s14 =	rddreg [dreg:$0x15];
	s25 =	sand.u32 $0x1FFFFFF0, s16;
	s26 =	spop (v2sf)  }
0x17c: {  	[tilespmem:s7], [sflag:$0x1] =	stream.linear.gather [hbm4b:s13+s1], $0x80, $0x38;
	[tilespmem:$0x10400] =	vst v63  }
0x17d: {  	s10 =	rddreg [dreg:$0xc];
	s28 =	sadd.s32 s4, s25;
	s30 =	spop (v2sf)  }
0x17e: {  	s29 =	sand.u32 $0x1FFFFFF0, s26;
	s26 =	rddreg [dreg:$0x13];
	s8 =	sand.u32 $0x1FFFFFF0, s30  }
0x17f: {  	(v2sf) =	vpush v63, $0xC;
	[tilespmem:s5], [sflag:$0x1] =	stream.linear.gather [hbm4b:s22+s1], $0x80, $0x38;
	[tilespmem:$0x10400] =	vst v63  }
0x180: {  	s7 =	sadd.s32 s2, s29;
	s9 =	spop (v2sf);
	s11 =	sadd.s32 s4, s8  }
0x181: {  	(v2sf) =	vpush v1, $0xD;
	[tilespmem:s31], [sflag:$0x1] =	stream.linear.gather [hbm4b:s28+s1], $0x80, $0x38;
	[tilespmem:$0x10400] =	vst v63  }
0x182: {  	(v2sf) =	vpush v63, $0xD;
	s8 =	rddreg [dreg:$0xa];
	s12 =	sand.u32 $0x1FFFFFF0, s9;
	s13 =	spop (v2sf)  }
0x183: {  	[tilespmem:s10], [sflag:$0x1] =	stream.linear.gather [hbm4b:s7+s1], $0x80, $0x38;
	[tilespmem:$0x10400] =	vst v63  }
0x184: {  	(v2sf) =	vpush v1, $0xE;
	s16 =	sadd.s32 s2, s12;
	s31 =	rddreg [dreg:$0x7];
	s22 =	sand.u32 $0x1FFFFFF0, s13  }
0x185: {  	[tilespmem:s14], [sflag:$0x1] =	stream.linear.gather [hbm4b:s11+s1], $0x80, $0x38;
	[tilespmem:$0x10400] =	vst v63  }
0x186: {  	s12 =	rddreg [dreg:$0x5];
	s25 =	spop (v2sf);
	s28 =	sadd.s32 s4, s22  }
0x187: {  	[tilespmem:s26], [sflag:$0x1] =	stream.linear.gather [hbm4b:s16+s1], $0x80, $0x38;
	[tilespmem:$0x10400] =	vst v63  }
0x188: {  	s29 =	sand.u32 $0x1FFFFFF0, s25;
	s30 =	spop (v2sf);
	s22 =	rddreg [dreg:$0x4]  }
0x189: {  	[tilespmem:s31], [sflag:$0x1] =	stream.linear.gather [hbm4b:s28+s1], $0x80, $0x38;
	[tilespmem:$0x10400] =	vst v63  }
0x18a: {  	s3 =	sadd.s32 s2, s29;
	s5 =	sand.u32 $0x1FFFFFF0, s30;
	s7 =	spop (v2sf)  }
0x18b: {  	[tilespmem:s8], [sflag:$0x1] =	stream.linear.gather [hbm4b:s3+s1], $0x80, $0x38;
	[tilespmem:$0x10400] =	vst v63  }
0x18c: {  	s29 =	rddreg [dreg:$0x6];
	s9 =	sadd.s32 s4, s5;
	s10 =	sand.u32 $0x1FFFFFF0, s7  }
0x18d: {  	[tilespmem:s12], [sflag:$0x1] =	stream.linear.gather [hbm4b:s9+s1], $0x80, $0x38;
	[tilespmem:$0x10400] =	vst v63  }
0x18e: {  	s13 =	sadd.s32 s2, s10;
	s31 =	rddreg [dreg:$0xe];
	s11 =	spop (v2sf)  }
0x18f: {  	[tilespmem:s22], [sflag:$0x1] =	stream.linear.gather [hbm4b:s13+s1], $0x80, $0x38;
	[tilespmem:$0x10400] =	vst v63  }
.Ltmp1:
0x190: {  	s14 =	sand.u32 $0x1FFFFFF0, s11;
	s16 =	spop (v2sf);
	(pc) =	sbr.rel @p1 .LBB2_4-.Ltmp1, $4  }
0x191: {  	s25 =	sadd.s32 s4, s14;
	s26 =	sand.u32 $0x1FFFFFF0, s16;
	s28 =	spop (v2sf)  }
0x192: {  	(v2sf) =	vpush v63, $0xE;
	[tilespmem:s29], [sflag:$0x1] =	stream.linear.gather [hbm4b:s25+s1], $0x80, $0x38;
	[tilespmem:$0x10400] =	vst v63  }
0x193: {  	(v2sf) =	vpush v1, $0xF;
	s30 =	sadd.s32 s2, s26;
	s3 =	sand.u32 $0x1FFFFFF0, s28;
	s5 =	spop (v2sf)  }
0x194: {  	(v2sf) =	vpush v63, $0xF;
	[tilespmem:s31], [sflag:$0x1] =	stream.linear.gather [hbm4b:s30+s1], $0x80, $0x38;
	[tilespmem:$0x10400] =	vst v63  }
0x195: {  	_ =	sdelay $0x7  }
0x196: {  	s0 =	sadd.s32 s4, s3;
	s10 =	sand.u32 $0x1FFFFFF0, s5  }
0x197: {  	[tilespmem:s23], [sflag:$0x1] =	stream.linear.gather [hbm4b:s0+s1], $0x80, $0x38;
	[tilespmem:$0x10400] =	vst v63  }
0x198: {  	s12 =	sadd.s32 s2, s10  }
0x199: {  	[tilespmem:s24], [sflag:$0x1] =	stream.linear.gather [hbm4b:s12+s1], $0x80, $0x38;
	[tilespmem:$0x10400] =	vst v63  }
0x19a: {  	s11 =	spop (v2sf)  }
0x19b: {  	s13 =	sand.u32 $0x1FFFFFF0, s11;
	s14 =	spop (v2sf)  }
0x19c: {  	s16 =	sadd.s32 s4, s13;
	s17 =	sand.u32 $0x1FFFFFF0, s14;
	s19 =	spop (v2sf)  }
0x19d: {  	[tilespmem:s15], [sflag:$0x1] =	stream.linear.gather [hbm4b:s16+s1], $0x80, $0x38;
	[tilespmem:$0x10400] =	vst v63  }
0x19e: {  	s20 =	sadd.s32 $0xB80, s18;
	s3 =	sadd.s32 s2, s17;
	s5 =	sand.u32 $0x1FFFFFF0, s19  }
0x19f: {  	[tilespmem:s20], [sflag:$0x1] =	stream.linear.gather [hbm4b:s3+s1], $0x80, $0x38;
	[tilespmem:$0x10400] =	vst v63  }
0x1a0: {  	s22 =	sadd.s32 $0x8B80, s18;
	s23 =	sadd.s32 s4, s5  }
0x1a1: {  	[tilespmem:s22], [sflag:$0x1] =	stream.linear.gather [hbm4b:s23+s1], $0x80, $0x38;
	[tilespmem:$0x10400] =	vst v63  }
0x1a2: {  	_ =	swait.ge @!p0 [sflag:s21], $0x800  }
0x1a3: {  	[sflag:s21] =	ssyncset.done @!p0 $0x0  }
0x1a4: {  	[sflag:s21] =	ssyncadd.s32 @!p0 $0xFFFFF800  }
0x1a5: {  	_ =	swait.ge @!p0 [sflag:s21], $0x800  }
0x1a6: {  	[sflag:s21] =	ssyncset.done @!p0 $0x0  }
0x1a7: {  	s24 =	simm.s32 $0x1;
	[sflag:s21] =	ssyncadd.s32 @!p0 $0xFFFFF800  }
0x1a8: {  	_ =	swait.ge [sflag:s24], $0x800  }
0x1a9: {  	[sflag:s24] =	ssyncset.done $0x0  }
0x1aa: {  	[sflag:s24] =	ssyncadd.s32 $0xFFFFF800  }
0x1ab: {  	_ =	swait.ge [sflag:s24], $0x800  }
0x1ac: {  	s26 =	simm.s32 $0x400;
	[sflag:s24] =	ssyncset.done $0x0  }
0x1ad: {  	s3 =	simm.s32 $0x2;
	s25 =	rddreg [dreg:$0x1c];
	[sflag:s24] =	ssyncadd.s32 $0xFFFFF800  }
0x1ae: {  	[hbm4b:s25+s1] =	stream.linear.scatter [tilespmem:s26], [sflag:$0x2], $0x8000, $0x38;
	[tilespmem:$0x10400] =	vst v63  }
0x1af: {  	_ =	swait.ge [sflag:s3], $0x8000  }
0x1b0: {  	[sflag:s3] =	ssyncset.done $0x0  }
0x1b1: {  	s29 =	simm.s32 $0x8400;
	s28 =	rddreg [dreg:$0x1d];
	[sflag:s3] =	ssyncadd.s32 $0xFFFF8000  }
0x1b2: {  	[hbm4b:s28+s1] =	stream.linear.scatter [tilespmem:s29], [sflag:$0x2], $0x8000, $0x38;
	[tilespmem:$0x10400] =	vst v63  }
0x1b3: {  	_ =	swait.ge [sflag:s3], $0x8000  }
0x1b4: {  	s30 =	rddreg [dreg:$0x1f]  }
0x1b5: {  	s31 =	rddreg [dreg:$0x1e];
	s5 =	sadd.s32 $0x1, s30  }
0x1b6: {  	p0 =	sne.s32 s5, s31  }
.Ltmp2:
0x1b7: {  	_ = 	snop;
	(pc) =	sbr.rel @p0 .LBB2_1-.Ltmp2, $3  }
0x1b8: {  	_ =	sdelay $0x1  }
0x1b9: {  	[sflag:s3] =	ssyncset.done $0x0  }
0x1ba: {  	[sflag:s3] =	ssyncadd.s32 $0xFFFF8000  }
0x1bb: {  	_ =	sfence.sel $0x180000  }
0x1bc: {  	[bflag:$0x0] =	sbarrier.arrive $0xFFFF  }
0x1bd: {  	_ =	strace $0x90000047  }
0x1be: {  	s0 =	stileid.u32;
	[bflag:$0x2] =	sbarrier.arrive $0xFFFF  }
0x1bf: {  	p0 =	sne.s32 s0, $0x0;
	s0 =	rddreg [dreg:$0x3]  }
0x1c0: {  	s0 =	sadd.s32 @!p0 $0x100000, s0  }
0x1c1: {  	[sflag:s0] =	ssyncadd.tile.s32 @!p0 $0x1;
	_ =	shalt  }
.Lfunc_end2:
_tile_overlayer_lowered:
.L_overlay_start_2:
0x1c2: {  	(tag) =	ssettag $0x2  }
0x1c3: {  	s0 =	rddreg [dreg:$0x0];
	s2 =	stileid.u32  }
0x1c4: {  	s1 =	rddreg [dreg:$0x1];
	p0 =	sne.s32 s2, $0x0  }
0x1c5: {  	s3 =	rddreg [dreg:$0x2];
	[bflag:$0x3] =	sbarrier.arrive $0xFFFF;
	s2 =	simm.s32 @!p0 $0x1C02  }
0x1c6: {  	[timem:s3], [sflag:s2] =	dma.local @!p0 [hbm:s0], s1  }
0x1c7: {  	s0 =	simm.s32 @!p0 $0x2  }
0x1c8: {  	_ =	swait.ge @!p0 [sflag:s0], s1  }
0x1c9: {  	s1 =	ssub.s32 @!p0 $0x0, s1;
	[sflag:s0] =	ssyncset.done @!p0 $0x0  }
0x1ca: {  	[sflag:s0] =	ssyncadd.s32 @!p0 s1  }
0x1cb: {  	[bflag:$0x3] =	sbarrier.arrive $0xFFFF  }
0x1cc: {  	_ =	shalt  }

</sc_bundles>
